<compile_context>
chip_gen: v7x
topology: tpu7x:2x2x1
jax: 0.10.2.dev20260603
libtpu: 0.0.44.dev20260713+nightly
codegen_flags: <defaults>
</compile_context>

<pallas_src>
import functools

import jax
import jax.numpy as jnp
from jax import lax
from jax.experimental import pallas as pl
from jax.experimental.pallas import tpu as pltpu
from jax.experimental.pallas import tpu_sc as plsc

CB = 8192
LAT = 32
NPIX = 16384
PTILE = 256
CCHUNK = 512
NTILES = NPIX // PTILE
NCHUNKS = CB // CCHUNK


def _dist_argmin_body(x_ref, cb_ref, idx_ref, loss_ref):
    x = x_ref[...]
    xsq = jnp.sum(x * x, axis=1, keepdims=True)
    best_val = jnp.full((PTILE,), 3.4e38, jnp.float32)
    best_idx = jnp.zeros((PTILE,), jnp.int32)
    for c in range(NCHUNKS):
        cb = cb_ref[c * CCHUNK:(c + 1) * CCHUNK, :]
        csq = jnp.sum(cb * cb, axis=1)
        dot = lax.dot_general(x, cb, (((1,), (1,)), ((), ())),
                              preferred_element_type=jnp.float32)
        d = (xsq - 2.0 * dot) + csq[None, :]
        m = jnp.min(d, axis=1)
        ii = lax.broadcasted_iota(jnp.int32, d.shape, 1)
        cand = jnp.min(jnp.where(d == m[:, None], ii, jnp.int32(2 ** 30)),
                       axis=1) + c * CCHUNK
        upd = m < best_val
        best_val = jnp.where(upd, m, best_val)
        best_idx = jnp.where(upd, cand, best_idx)
    idx_ref[0, 0, :] = best_idx
    part = jnp.sum(best_val)

    @pl.when(pl.program_id(0) == 0)
    def _():
        loss_ref[0, 0] = 0.0

    loss_ref[0, 0] += part


def _dist_argmin(xt, codebook):
    return pl.pallas_call(
        _dist_argmin_body,
        grid=(NTILES,),
        in_specs=[
            pl.BlockSpec((PTILE, LAT), lambda i: (i, 0)),
            pl.BlockSpec((CB, LAT), lambda i: (0, 0)),
        ],
        out_specs=[
            pl.BlockSpec((1, 1, PTILE), lambda i: (i, 0, 0)),
            pl.BlockSpec(memory_space=pltpu.SMEM),
        ],
        out_shape=[
            jax.ShapeDtypeStruct((NTILES, 1, PTILE), jnp.int32),
            jax.ShapeDtypeStruct((1, 1), jnp.float32),
        ],
        compiler_params=pltpu.CompilerParams(
            dimension_semantics=("arbitrary",)),
    )(xt, codebook)


NCORES = 2
NSUB = 16
NW = NCORES * NSUB
BPW = NPIX // NW


NB = 16
PIX = 1024


@functools.cache
def _sc_st_kernel():
    @functools.partial(
        pl.kernel,
        mesh=plsc.VectorSubcoreMesh(core_axis_name="c", subcore_axis_name="s"),
        out_type=jax.ShapeDtypeStruct((NPIX * LAT,), jnp.float32),
        scratch_types=[
            pltpu.VMEM((NPIX,), jnp.int32),
            pltpu.VMEM((NPIX,), jnp.float32),
            pltpu.VMEM((NPIX,), jnp.float32),
            pltpu.VMEM((CB,), jnp.float32),
            pltpu.SemaphoreType.DMA,
        ],
        compiler_params=pltpu.CompilerParams(needs_layout_passes=False),
    )
    def _sc_st(cbt_hbm, idx_hbm, x_hbm, out_hbm, idx_v, x_v, o_v, cbt_v, sem):
        w = lax.axis_index("s") * NCORES + lax.axis_index("c")
        copies = [
            pltpu.make_async_copy(cbt_hbm.at[pl.ds(w * CB, CB)], cbt_v, sem),
            pltpu.make_async_copy(idx_hbm, idx_v, sem),
        ]
        for b in range(NB):
            src = x_hbm.at[pl.ds((b * LAT + w) * PIX, PIX)]
            copies.append(pltpu.make_async_copy(
                src, x_v.at[pl.ds(b * PIX, PIX)], sem))
        for c in copies:
            c.start()
        for c in copies:
            c.wait()

        def body(g, carry):
            o = pl.multiple_of(g * 16, 16)
            iv = idx_v[pl.ds(o, 16)]
            q = plsc.load_gather(cbt_v, [iv])
            xv = x_v[pl.ds(o, 16)]
            o_v[pl.ds(o, 16)] = xv + (q - xv)
            return carry

        lax.fori_loop(0, NPIX // 16, body, 0)

        outs = []
        for b in range(NB):
            dst = out_hbm.at[pl.ds((b * LAT + w) * PIX, PIX)]
            outs.append(pltpu.make_async_copy(
                o_v.at[pl.ds(b * PIX, PIX)], dst, sem))
        for c in outs:
            c.start()
        for c in outs:
            c.wait()

    return _sc_st


def kernel(inputs, codebook):
    xt = jnp.transpose(inputs.reshape(NB, LAT, PIX), (0, 2, 1))
    xt = xt.reshape(NPIX, LAT)
    idx3, loss = _dist_argmin(xt, codebook)
    idx = idx3.reshape(NPIX)
    cbt = jnp.transpose(codebook).reshape(CB * LAT)
    x_flat = inputs.reshape(NPIX * LAT)
    st_flat = _sc_st_kernel()(cbt, idx, x_flat)
    quantized_out = st_flat.reshape(NB, LAT, 32, 32)
    m = loss[0, 0] / jnp.float32(NPIX * LAT)
    embedding_loss = m
    commitment_loss = m
    vq_loss = commitment_loss * 0.25 + embedding_loss
    return quantized_out, vq_loss, embedding_loss, commitment_loss

# --- scband reference (transcript-rebuilt; emitter-appended) ---
"""Pipeline reference for scband-quantizer-8126078124277 (READ-ONLY COPY).

The authoritative reference and input builder live on the scoring server;
editing this copy changes nothing except your own understanding.
"""

import jax, jax.numpy as jnp
import numpy as np

CODEBOOK_SIZE = 8192
LATENT = 32
BETA = 0.25

def setup_inputs(seed: int = 0) -> dict:
    key = jax.random.key(seed)
    k1, k2 = jax.random.split(key)
    inputs = jax.random.normal(k1, (16, LATENT, 32, 32), dtype=jnp.float32)
    codebook = jax.random.uniform(k2, (CODEBOOK_SIZE, LATENT), minval=-1.0 / CODEBOOK_SIZE, maxval=1.0 / CODEBOOK_SIZE, dtype=jnp.float32)
    return {"inputs": inputs, "codebook": codebook}

def reference(inputs, codebook):
    # permute B,C,H,W -> B,H,W,C
    x = jnp.transpose(inputs, (0, 2, 3, 1))
    flat = x.reshape(-1, LATENT)
    dists = jnp.sum(flat ** 2, axis=1, keepdims=True) - 2.0 * (flat @ codebook.T) + jnp.sum(codebook ** 2, axis=1)
    code_idxs = jnp.argmin(dists, axis=1)
    quantized = jnp.take(codebook, code_idxs, axis=0).reshape(x.shape)
    embedding_loss = jnp.mean((quantized - jax.lax.stop_gradient(x)) ** 2)
    commitment_loss = jnp.mean((jax.lax.stop_gradient(quantized) - x) ** 2)
    vq_loss = commitment_loss * BETA + embedding_loss
    # straight-through estimator
    quantized_st = x + jax.lax.stop_gradient(quantized - x)
    quantized_out = jnp.transpose(quantized_st, (0, 3, 1, 2))
    return quantized_out, vq_loss, embedding_loss, commitment_loss

if __name__ == "__main__":
    import jax
    _d = setup_inputs()
    print(jax.jit(kernel)(*tuple(_d.values())))

</pallas_src>

<mosaic_0001>
#map = affine_map<(d0, d1) -> (0)>
module attributes {stable_mosaic.version = 14 : i64} {
  func.func @_sc_st(%arg0: i32, %arg1: i32, %arg2: memref<262144xf32, #tpu.memory_space<hbm>>, %arg3: memref<16384xi32, #tpu.memory_space<hbm>>, %arg4: memref<524288xf32, #tpu.memory_space<hbm>>, %arg5: memref<524288xf32, #tpu.memory_space<hbm>>, %arg6: memref<16384xi32, #tpu.memory_space<vmem>>, %arg7: memref<16384xf32, #tpu.memory_space<vmem>>, %arg8: memref<16384xf32, #tpu.memory_space<vmem>>, %arg9: memref<8192xf32, #tpu.memory_space<vmem>>, %arg10: memref<!tpu.dma_semaphore, #tpu.memory_space<semaphore_mem>>) attributes {dimension_semantics = [#tpu.dimension_semantics<core_parallel>, #tpu.dimension_semantics<subcore_parallel>], iteration_bounds = array<i64: 2, 16>, scalar_prefetch = 0 : i64, scratch_operands = 5 : i64, tpu.core_type = #tpu.core_type<sc_vector_subcore>, window_params = [{transform_indices = #map}, {transform_indices = #map}, {transform_indices = #map}, {transform_indices = #map}]} {
    %mul3A = arith.constant 2 : i32
    %mul3A_0 = arith.muli %arg1, %mul3A : i32
    %add3A = arith.addi %mul3A_0, %arg0 : i32
    %mul3A_1 = arith.constant 8192 : i32
    %mul3A_2 = arith.muli %add3A, %mul3A_1 : i32
    %add3A_3 = arith.constant 0 : i32
    %add3A_4 = arith.addi %add3A_3, %add3A : i32
    %mul3A_5 = arith.constant 1024 : i32
    %mul3A_6 = arith.muli %add3A_4, %mul3A_5 : i32
    %add3A_7 = arith.constant 32 : i32
    %add3A_8 = arith.addi %add3A_7, %add3A : i32
    %mul3A_9 = arith.constant 1024 : i32
    %mul3A_10 = arith.muli %add3A_8, %mul3A_9 : i32
    %add3A_11 = arith.constant 64 : i32
    %add3A_12 = arith.addi %add3A_11, %add3A : i32
    %mul3A_13 = arith.constant 1024 : i32
    %mul3A_14 = arith.muli %add3A_12, %mul3A_13 : i32
    %add3A_15 = arith.constant 96 : i32
    %add3A_16 = arith.addi %add3A_15, %add3A : i32
    %mul3A_17 = arith.constant 1024 : i32
    %mul3A_18 = arith.muli %add3A_16, %mul3A_17 : i32
    %add3A_19 = arith.constant 128 : i32
    %add3A_20 = arith.addi %add3A_19, %add3A : i32
    %mul3A_21 = arith.constant 1024 : i32
    %mul3A_22 = arith.muli %add3A_20, %mul3A_21 : i32
    %add3A_23 = arith.constant 160 : i32
    %add3A_24 = arith.addi %add3A_23, %add3A : i32
    %mul3A_25 = arith.constant 1024 : i32
    %mul3A_26 = arith.muli %add3A_24, %mul3A_25 : i32
    %add3A_27 = arith.constant 192 : i32
    %add3A_28 = arith.addi %add3A_27, %add3A : i32
    %mul3A_29 = arith.constant 1024 : i32
    %mul3A_30 = arith.muli %add3A_28, %mul3A_29 : i32
    %add3A_31 = arith.constant 224 : i32
    %add3A_32 = arith.addi %add3A_31, %add3A : i32
    %mul3A_33 = arith.constant 1024 : i32
    %mul3A_34 = arith.muli %add3A_32, %mul3A_33 : i32
    %add3A_35 = arith.constant 256 : i32
    %add3A_36 = arith.addi %add3A_35, %add3A : i32
    %mul3A_37 = arith.constant 1024 : i32
    %mul3A_38 = arith.muli %add3A_36, %mul3A_37 : i32
    %add3A_39 = arith.constant 288 : i32
    %add3A_40 = arith.addi %add3A_39, %add3A : i32
    %mul3A_41 = arith.constant 1024 : i32
    %mul3A_42 = arith.muli %add3A_40, %mul3A_41 : i32
    %add3A_43 = arith.constant 320 : i32
    %add3A_44 = arith.addi %add3A_43, %add3A : i32
    %mul3A_45 = arith.constant 1024 : i32
    %mul3A_46 = arith.muli %add3A_44, %mul3A_45 : i32
    %add3A_47 = arith.constant 352 : i32
    %add3A_48 = arith.addi %add3A_47, %add3A : i32
    %mul3A_49 = arith.constant 1024 : i32
    %mul3A_50 = arith.muli %add3A_48, %mul3A_49 : i32
    %add3A_51 = arith.constant 384 : i32
    %add3A_52 = arith.addi %add3A_51, %add3A : i32
    %mul3A_53 = arith.constant 1024 : i32
    %mul3A_54 = arith.muli %add3A_52, %mul3A_53 : i32
    %add3A_55 = arith.constant 416 : i32
    %add3A_56 = arith.addi %add3A_55, %add3A : i32
    %mul3A_57 = arith.constant 1024 : i32
    %mul3A_58 = arith.muli %add3A_56, %mul3A_57 : i32
    %add3A_59 = arith.constant 448 : i32
    %add3A_60 = arith.addi %add3A_59, %add3A : i32
    %mul3A_61 = arith.constant 1024 : i32
    %mul3A_62 = arith.muli %add3A_60, %mul3A_61 : i32
    %add3A_63 = arith.constant 480 : i32
    %add3A_64 = arith.addi %add3A_63, %add3A : i32
    %mul3A_65 = arith.constant 1024 : i32
    %mul3A_66 = arith.muli %add3A_64, %mul3A_65 : i32
    %dma_start3A = tpu.memref_slice %arg2[%mul3A_2] : memref<262144xf32, #tpu.memory_space<hbm>> -> memref<8192xf32, #tpu.memory_space<hbm>>
    %dma_start3A_67 = tpu.memref_slice %arg2[%mul3A_2] : memref<262144xf32, #tpu.memory_space<hbm>> -> memref<8192xf32, #tpu.memory_space<hbm>>
    tpu.enqueue_dma source(%dma_start3A_67 : memref<8192xf32, #tpu.memory_space<hbm>>) target(%arg9 : memref<8192xf32, #tpu.memory_space<vmem>>) target_semaphore(%arg10 : memref<!tpu.dma_semaphore, #tpu.memory_space<semaphore_mem>>)
    tpu.enqueue_dma source(%arg3 : memref<16384xi32, #tpu.memory_space<hbm>>) target(%arg6 : memref<16384xi32, #tpu.memory_space<vmem>>) target_semaphore(%arg10 : memref<!tpu.dma_semaphore, #tpu.memory_space<semaphore_mem>>)
    %dma_start3A_68 = arith.constant 0 : i32
    %dma_start3A_69 = tpu.memref_slice %arg7[%dma_start3A_68] : memref<16384xf32, #tpu.memory_space<vmem>> -> memref<1024xf32, #tpu.memory_space<vmem>>
    %dma_start3A_70 = tpu.memref_slice %arg4[%mul3A_6] : memref<524288xf32, #tpu.memory_space<hbm>> -> memref<1024xf32, #tpu.memory_space<hbm>>
    %dma_start3A_71 = arith.constant 0 : i32
    %dma_start3A_72 = tpu.memref_slice %arg7[%dma_start3A_71] : memref<16384xf32, #tpu.memory_space<vmem>> -> memref<1024xf32, #tpu.memory_space<vmem>>
    %dma_start3A_73 = tpu.memref_slice %arg4[%mul3A_6] : memref<524288xf32, #tpu.memory_space<hbm>> -> memref<1024xf32, #tpu.memory_space<hbm>>
    tpu.enqueue_dma source(%dma_start3A_73 : memref<1024xf32, #tpu.memory_space<hbm>>) target(%dma_start3A_72 : memref<1024xf32, #tpu.memory_space<vmem>>) target_semaphore(%arg10 : memref<!tpu.dma_semaphore, #tpu.memory_space<semaphore_mem>>)
    %dma_start3A_74 = arith.constant 1024 : i32
    %dma_start3A_75 = tpu.memref_slice %arg7[%dma_start3A_74] : memref<16384xf32, #tpu.memory_space<vmem>> -> memref<1024xf32, #tpu.memory_space<vmem>>
    %dma_start3A_76 = tpu.memref_slice %arg4[%mul3A_10] : memref<524288xf32, #tpu.memory_space<hbm>> -> memref<1024xf32, #tpu.memory_space<hbm>>
    %dma_start3A_77 = arith.constant 1024 : i32
    %dma_start3A_78 = tpu.memref_slice %arg7[%dma_start3A_77] : memref<16384xf32, #tpu.memory_space<vmem>> -> memref<1024xf32, #tpu.memory_space<vmem>>
    %dma_start3A_79 = tpu.memref_slice %arg4[%mul3A_10] : memref<524288xf32, #tpu.memory_space<hbm>> -> memref<1024xf32, #tpu.memory_space<hbm>>
    tpu.enqueue_dma source(%dma_start3A_79 : memref<1024xf32, #tpu.memory_space<hbm>>) target(%dma_start3A_78 : memref<1024xf32, #tpu.memory_space<vmem>>) target_semaphore(%arg10 : memref<!tpu.dma_semaphore, #tpu.memory_space<semaphore_mem>>)
    %dma_start3A_80 = arith.constant 2048 : i32
    %dma_start3A_81 = tpu.memref_slice %arg7[%dma_start3A_80] : memref<16384xf32, #tpu.memory_space<vmem>> -> memref<1024xf32, #tpu.memory_space<vmem>>
    %dma_start3A_82 = tpu.memref_slice %arg4[%mul3A_14] : memref<524288xf32, #tpu.memory_space<hbm>> -> memref<1024xf32, #tpu.memory_space<hbm>>
    %dma_start3A_83 = arith.constant 2048 : i32
    %dma_start3A_84 = tpu.memref_slice %arg7[%dma_start3A_83] : memref<16384xf32, #tpu.memory_space<vmem>> -> memref<1024xf32, #tpu.memory_space<vmem>>
    %dma_start3A_85 = tpu.memref_slice %arg4[%mul3A_14] : memref<524288xf32, #tpu.memory_space<hbm>> -> memref<1024xf32, #tpu.memory_space<hbm>>
    tpu.enqueue_dma source(%dma_start3A_85 : memref<1024xf32, #tpu.memory_space<hbm>>) target(%dma_start3A_84 : memref<1024xf32, #tpu.memory_space<vmem>>) target_semaphore(%arg10 : memref<!tpu.dma_semaphore, #tpu.memory_space<semaphore_mem>>)
    %dma_start3A_86 = arith.constant 3072 : i32
    %dma_start3A_87 = tpu.memref_slice %arg7[%dma_start3A_86] : memref<16384xf32, #tpu.memory_space<vmem>> -> memref<1024xf32, #tpu.memory_space<vmem>>
    %dma_start3A_88 = tpu.memref_slice %arg4[%mul3A_18] : memref<524288xf32, #tpu.memory_space<hbm>> -> memref<1024xf32, #tpu.memory_space<hbm>>
    %dma_start3A_89 = arith.constant 3072 : i32
    %dma_start3A_90 = tpu.memref_slice %arg7[%dma_start3A_89] : memref<16384xf32, #tpu.memory_space<vmem>> -> memref<1024xf32, #tpu.memory_space<vmem>>
    %dma_start3A_91 = tpu.memref_slice %arg4[%mul3A_18] : memref<524288xf32, #tpu.memory_space<hbm>> -> memref<1024xf32, #tpu.memory_space<hbm>>
    tpu.enqueue_dma source(%dma_start3A_91 : memref<1024xf32, #tpu.memory_space<hbm>>) target(%dma_start3A_90 : memref<1024xf32, #tpu.memory_space<vmem>>) target_semaphore(%arg10 : memref<!tpu.dma_semaphore, #tpu.memory_space<semaphore_mem>>)
    %dma_start3A_92 = arith.constant 4096 : i32
    %dma_start3A_93 = tpu.memref_slice %arg7[%dma_start3A_92] : memref<16384xf32, #tpu.memory_space<vmem>> -> memref<1024xf32, #tpu.memory_space<vmem>>
    %dma_start3A_94 = tpu.memref_slice %arg4[%mul3A_22] : memref<524288xf32, #tpu.memory_space<hbm>> -> memref<1024xf32, #tpu.memory_space<hbm>>
    %dma_start3A_95 = arith.constant 4096 : i32
    %dma_start3A_96 = tpu.memref_slice %arg7[%dma_start3A_95] : memref<16384xf32, #tpu.memory_space<vmem>> -> memref<1024xf32, #tpu.memory_space<vmem>>
    %dma_start3A_97 = tpu.memref_slice %arg4[%mul3A_22] : memref<524288xf32, #tpu.memory_space<hbm>> -> memref<1024xf32, #tpu.memory_space<hbm>>
    tpu.enqueue_dma source(%dma_start3A_97 : memref<1024xf32, #tpu.memory_space<hbm>>) target(%dma_start3A_96 : memref<1024xf32, #tpu.memory_space<vmem>>) target_semaphore(%arg10 : memref<!tpu.dma_semaphore, #tpu.memory_space<semaphore_mem>>)
    %dma_start3A_98 = arith.constant 5120 : i32
    %dma_start3A_99 = tpu.memref_slice %arg7[%dma_start3A_98] : memref<16384xf32, #tpu.memory_space<vmem>> -> memref<1024xf32, #tpu.memory_space<vmem>>
    %dma_start3A_100 = tpu.memref_slice %arg4[%mul3A_26] : memref<524288xf32, #tpu.memory_space<hbm>> -> memref<1024xf32, #tpu.memory_space<hbm>>
    %dma_start3A_101 = arith.constant 5120 : i32
    %dma_start3A_102 = tpu.memref_slice %arg7[%dma_start3A_101] : memref<16384xf32, #tpu.memory_space<vmem>> -> memref<1024xf32, #tpu.memory_space<vmem>>
    %dma_start3A_103 = tpu.memref_slice %arg4[%mul3A_26] : memref<524288xf32, #tpu.memory_space<hbm>> -> memref<1024xf32, #tpu.memory_space<hbm>>
    tpu.enqueue_dma source(%dma_start3A_103 : memref<1024xf32, #tpu.memory_space<hbm>>) target(%dma_start3A_102 : memref<1024xf32, #tpu.memory_space<vmem>>) target_semaphore(%arg10 : memref<!tpu.dma_semaphore, #tpu.memory_space<semaphore_mem>>)
    %dma_start3A_104 = arith.constant 6144 : i32
    %dma_start3A_105 = tpu.memref_slice %arg7[%dma_start3A_104] : memref<16384xf32, #tpu.memory_space<vmem>> -> memref<1024xf32, #tpu.memory_space<vmem>>
    %dma_start3A_106 = tpu.memref_slice %arg4[%mul3A_30] : memref<524288xf32, #tpu.memory_space<hbm>> -> memref<1024xf32, #tpu.memory_space<hbm>>
    %dma_start3A_107 = arith.constant 6144 : i32
    %dma_start3A_108 = tpu.memref_slice %arg7[%dma_start3A_107] : memref<16384xf32, #tpu.memory_space<vmem>> -> memref<1024xf32, #tpu.memory_space<vmem>>
    %dma_start3A_109 = tpu.memref_slice %arg4[%mul3A_30] : memref<524288xf32, #tpu.memory_space<hbm>> -> memref<1024xf32, #tpu.memory_space<hbm>>
    tpu.enqueue_dma source(%dma_start3A_109 : memref<1024xf32, #tpu.memory_space<hbm>>) target(%dma_start3A_108 : memref<1024xf32, #tpu.memory_space<vmem>>) target_semaphore(%arg10 : memref<!tpu.dma_semaphore, #tpu.memory_space<semaphore_mem>>)
    %dma_start3A_110 = arith.constant 7168 : i32
    %dma_start3A_111 = tpu.memref_slice %arg7[%dma_start3A_110] : memref<16384xf32, #tpu.memory_space<vmem>> -> memref<1024xf32, #tpu.memory_space<vmem>>
    %dma_start3A_112 = tpu.memref_slice %arg4[%mul3A_34] : memref<524288xf32, #tpu.memory_space<hbm>> -> memref<1024xf32, #tpu.memory_space<hbm>>
    %dma_start3A_113 = arith.constant 7168 : i32
    %dma_start3A_114 = tpu.memref_slice %arg7[%dma_start3A_113] : memref<16384xf32, #tpu.memory_space<vmem>> -> memref<1024xf32, #tpu.memory_space<vmem>>
    %dma_start3A_115 = tpu.memref_slice %arg4[%mul3A_34] : memref<524288xf32, #tpu.memory_space<hbm>> -> memref<1024xf32, #tpu.memory_space<hbm>>
    tpu.enqueue_dma source(%dma_start3A_115 : memref<1024xf32, #tpu.memory_space<hbm>>) target(%dma_start3A_114 : memref<1024xf32, #tpu.memory_space<vmem>>) target_semaphore(%arg10 : memref<!tpu.dma_semaphore, #tpu.memory_space<semaphore_mem>>)
    %dma_start3A_116 = arith.constant 8192 : i32
    %dma_start3A_117 = tpu.memref_slice %arg7[%dma_start3A_116] : memref<16384xf32, #tpu.memory_space<vmem>> -> memref<1024xf32, #tpu.memory_space<vmem>>
    %dma_start3A_118 = tpu.memref_slice %arg4[%mul3A_38] : memref<524288xf32, #tpu.memory_space<hbm>> -> memref<1024xf32, #tpu.memory_space<hbm>>
    %dma_start3A_119 = arith.constant 8192 : i32
    %dma_start3A_120 = tpu.memref_slice %arg7[%dma_start3A_119] : memref<16384xf32, #tpu.memory_space<vmem>> -> memref<1024xf32, #tpu.memory_space<vmem>>
    %dma_start3A_121 = tpu.memref_slice %arg4[%mul3A_38] : memref<524288xf32, #tpu.memory_space<hbm>> -> memref<1024xf32, #tpu.memory_space<hbm>>
    tpu.enqueue_dma source(%dma_start3A_121 : memref<1024xf32, #tpu.memory_space<hbm>>) target(%dma_start3A_120 : memref<1024xf32, #tpu.memory_space<vmem>>) target_semaphore(%arg10 : memref<!tpu.dma_semaphore, #tpu.memory_space<semaphore_mem>>)
    %dma_start3A_122 = arith.constant 9216 : i32
    %dma_start3A_123 = tpu.memref_slice %arg7[%dma_start3A_122] : memref<16384xf32, #tpu.memory_space<vmem>> -> memref<1024xf32, #tpu.memory_space<vmem>>
    %dma_start3A_124 = tpu.memref_slice %arg4[%mul3A_42] : memref<524288xf32, #tpu.memory_space<hbm>> -> memref<1024xf32, #tpu.memory_space<hbm>>
    %dma_start3A_125 = arith.constant 9216 : i32
    %dma_start3A_126 = tpu.memref_slice %arg7[%dma_start3A_125] : memref<16384xf32, #tpu.memory_space<vmem>> -> memref<1024xf32, #tpu.memory_space<vmem>>
    %dma_start3A_127 = tpu.memref_slice %arg4[%mul3A_42] : memref<524288xf32, #tpu.memory_space<hbm>> -> memref<1024xf32, #tpu.memory_space<hbm>>
    tpu.enqueue_dma source(%dma_start3A_127 : memref<1024xf32, #tpu.memory_space<hbm>>) target(%dma_start3A_126 : memref<1024xf32, #tpu.memory_space<vmem>>) target_semaphore(%arg10 : memref<!tpu.dma_semaphore, #tpu.memory_space<semaphore_mem>>)
    %dma_start3A_128 = arith.constant 10240 : i32
    %dma_start3A_129 = tpu.memref_slice %arg7[%dma_start3A_128] : memref<16384xf32, #tpu.memory_space<vmem>> -> memref<1024xf32, #tpu.memory_space<vmem>>
    %dma_start3A_130 = tpu.memref_slice %arg4[%mul3A_46] : memref<524288xf32, #tpu.memory_space<hbm>> -> memref<1024xf32, #tpu.memory_space<hbm>>
    %dma_start3A_131 = arith.constant 10240 : i32
    %dma_start3A_132 = tpu.memref_slice %arg7[%dma_start3A_131] : memref<16384xf32, #tpu.memory_space<vmem>> -> memref<1024xf32, #tpu.memory_space<vmem>>
    %dma_start3A_133 = tpu.memref_slice %arg4[%mul3A_46] : memref<524288xf32, #tpu.memory_space<hbm>> -> memref<1024xf32, #tpu.memory_space<hbm>>
    tpu.enqueue_dma source(%dma_start3A_133 : memref<1024xf32, #tpu.memory_space<hbm>>) target(%dma_start3A_132 : memref<1024xf32, #tpu.memory_space<vmem>>) target_semaphore(%arg10 : memref<!tpu.dma_semaphore, #tpu.memory_space<semaphore_mem>>)
    %dma_start3A_134 = arith.constant 11264 : i32
    %dma_start3A_135 = tpu.memref_slice %arg7[%dma_start3A_134] : memref<16384xf32, #tpu.memory_space<vmem>> -> memref<1024xf32, #tpu.memory_space<vmem>>
    %dma_start3A_136 = tpu.memref_slice %arg4[%mul3A_50] : memref<524288xf32, #tpu.memory_space<hbm>> -> memref<1024xf32, #tpu.memory_space<hbm>>
    %dma_start3A_137 = arith.constant 11264 : i32
    %dma_start3A_138 = tpu.memref_slice %arg7[%dma_start3A_137] : memref<16384xf32, #tpu.memory_space<vmem>> -> memref<1024xf32, #tpu.memory_space<vmem>>
    %dma_start3A_139 = tpu.memref_slice %arg4[%mul3A_50] : memref<524288xf32, #tpu.memory_space<hbm>> -> memref<1024xf32, #tpu.memory_space<hbm>>
    tpu.enqueue_dma source(%dma_start3A_139 : memref<1024xf32, #tpu.memory_space<hbm>>) target(%dma_start3A_138 : memref<1024xf32, #tpu.memory_space<vmem>>) target_semaphore(%arg10 : memref<!tpu.dma_semaphore, #tpu.memory_space<semaphore_mem>>)
    %dma_start3A_140 = arith.constant 12288 : i32
    %dma_start3A_141 = tpu.memref_slice %arg7[%dma_start3A_140] : memref<16384xf32, #tpu.memory_space<vmem>> -> memref<1024xf32, #tpu.memory_space<vmem>>
    %dma_start3A_142 = tpu.memref_slice %arg4[%mul3A_54] : memref<524288xf32, #tpu.memory_space<hbm>> -> memref<1024xf32, #tpu.memory_space<hbm>>
    %dma_start3A_143 = arith.constant 12288 : i32
    %dma_start3A_144 = tpu.memref_slice %arg7[%dma_start3A_143] : memref<16384xf32, #tpu.memory_space<vmem>> -> memref<1024xf32, #tpu.memory_space<vmem>>
    %dma_start3A_145 = tpu.memref_slice %arg4[%mul3A_54] : memref<524288xf32, #tpu.memory_space<hbm>> -> memref<1024xf32, #tpu.memory_space<hbm>>
    tpu.enqueue_dma source(%dma_start3A_145 : memref<1024xf32, #tpu.memory_space<hbm>>) target(%dma_start3A_144 : memref<1024xf32, #tpu.memory_space<vmem>>) target_semaphore(%arg10 : memref<!tpu.dma_semaphore, #tpu.memory_space<semaphore_mem>>)
    %dma_start3A_146 = arith.constant 13312 : i32
    %dma_start3A_147 = tpu.memref_slice %arg7[%dma_start3A_146] : memref<16384xf32, #tpu.memory_space<vmem>> -> memref<1024xf32, #tpu.memory_space<vmem>>
    %dma_start3A_148 = tpu.memref_slice %arg4[%mul3A_58] : memref<524288xf32, #tpu.memory_space<hbm>> -> memref<1024xf32, #tpu.memory_space<hbm>>
    %dma_start3A_149 = arith.constant 13312 : i32
    %dma_start3A_150 = tpu.memref_slice %arg7[%dma_start3A_149] : memref<16384xf32, #tpu.memory_space<vmem>> -> memref<1024xf32, #tpu.memory_space<vmem>>
    %dma_start3A_151 = tpu.memref_slice %arg4[%mul3A_58] : memref<524288xf32, #tpu.memory_space<hbm>> -> memref<1024xf32, #tpu.memory_space<hbm>>
    tpu.enqueue_dma source(%dma_start3A_151 : memref<1024xf32, #tpu.memory_space<hbm>>) target(%dma_start3A_150 : memref<1024xf32, #tpu.memory_space<vmem>>) target_semaphore(%arg10 : memref<!tpu.dma_semaphore, #tpu.memory_space<semaphore_mem>>)
    %dma_start3A_152 = arith.constant 14336 : i32
    %dma_start3A_153 = tpu.memref_slice %arg7[%dma_start3A_152] : memref<16384xf32, #tpu.memory_space<vmem>> -> memref<1024xf32, #tpu.memory_space<vmem>>
    %dma_start3A_154 = tpu.memref_slice %arg4[%mul3A_62] : memref<524288xf32, #tpu.memory_space<hbm>> -> memref<1024xf32, #tpu.memory_space<hbm>>
    %dma_start3A_155 = arith.constant 14336 : i32
    %dma_start3A_156 = tpu.memref_slice %arg7[%dma_start3A_155] : memref<16384xf32, #tpu.memory_space<vmem>> -> memref<1024xf32, #tpu.memory_space<vmem>>
    %dma_start3A_157 = tpu.memref_slice %arg4[%mul3A_62] : memref<524288xf32, #tpu.memory_space<hbm>> -> memref<1024xf32, #tpu.memory_space<hbm>>
    tpu.enqueue_dma source(%dma_start3A_157 : memref<1024xf32, #tpu.memory_space<hbm>>) target(%dma_start3A_156 : memref<1024xf32, #tpu.memory_space<vmem>>) target_semaphore(%arg10 : memref<!tpu.dma_semaphore, #tpu.memory_space<semaphore_mem>>)
    %dma_start3A_158 = arith.constant 15360 : i32
    %dma_start3A_159 = tpu.memref_slice %arg7[%dma_start3A_158] : memref<16384xf32, #tpu.memory_space<vmem>> -> memref<1024xf32, #tpu.memory_space<vmem>>
    %dma_start3A_160 = tpu.memref_slice %arg4[%mul3A_66] : memref<524288xf32, #tpu.memory_space<hbm>> -> memref<1024xf32, #tpu.memory_space<hbm>>
    %dma_start3A_161 = arith.constant 15360 : i32
    %dma_start3A_162 = tpu.memref_slice %arg7[%dma_start3A_161] : memref<16384xf32, #tpu.memory_space<vmem>> -> memref<1024xf32, #tpu.memory_space<vmem>>
    %dma_start3A_163 = tpu.memref_slice %arg4[%mul3A_66] : memref<524288xf32, #tpu.memory_space<hbm>> -> memref<1024xf32, #tpu.memory_space<hbm>>
    tpu.enqueue_dma source(%dma_start3A_163 : memref<1024xf32, #tpu.memory_space<hbm>>) target(%dma_start3A_162 : memref<1024xf32, #tpu.memory_space<vmem>>) target_semaphore(%arg10 : memref<!tpu.dma_semaphore, #tpu.memory_space<semaphore_mem>>)
    %dma_wait3A = tpu.memref_slice %arg2[%mul3A_2] : memref<262144xf32, #tpu.memory_space<hbm>> -> memref<8192xf32, #tpu.memory_space<hbm>>
    %dma_wait3A_164 = tpu.memref_slice %arg2[%mul3A_2] : memref<262144xf32, #tpu.memory_space<hbm>> -> memref<8192xf32, #tpu.memory_space<hbm>>
    tpu.wait_dma2 semaphore(%arg10 : memref<!tpu.dma_semaphore, #tpu.memory_space<semaphore_mem>>) src(%dma_wait3A_164 : memref<8192xf32, #tpu.memory_space<hbm>>) dst(%arg9 : memref<8192xf32, #tpu.memory_space<vmem>>)
    tpu.wait_dma2 semaphore(%arg10 : memref<!tpu.dma_semaphore, #tpu.memory_space<semaphore_mem>>) src(%arg3 : memref<16384xi32, #tpu.memory_space<hbm>>) dst(%arg6 : memref<16384xi32, #tpu.memory_space<vmem>>)
    %dma_wait3A_165 = arith.constant 0 : i32
    %dma_wait3A_166 = tpu.memref_slice %arg7[%dma_wait3A_165] : memref<16384xf32, #tpu.memory_space<vmem>> -> memref<1024xf32, #tpu.memory_space<vmem>>
    %dma_wait3A_167 = tpu.memref_slice %arg4[%mul3A_6] : memref<524288xf32, #tpu.memory_space<hbm>> -> memref<1024xf32, #tpu.memory_space<hbm>>
    %dma_wait3A_168 = arith.constant 0 : i32
    %dma_wait3A_169 = tpu.memref_slice %arg7[%dma_wait3A_168] : memref<16384xf32, #tpu.memory_space<vmem>> -> memref<1024xf32, #tpu.memory_space<vmem>>
    %dma_wait3A_170 = tpu.memref_slice %arg4[%mul3A_6] : memref<524288xf32, #tpu.memory_space<hbm>> -> memref<1024xf32, #tpu.memory_space<hbm>>
    tpu.wait_dma2 semaphore(%arg10 : memref<!tpu.dma_semaphore, #tpu.memory_space<semaphore_mem>>) src(%dma_wait3A_170 : memref<1024xf32, #tpu.memory_space<hbm>>) dst(%dma_wait3A_169 : memref<1024xf32, #tpu.memory_space<vmem>>)
    %dma_wait3A_171 = arith.constant 1024 : i32
    %dma_wait3A_172 = tpu.memref_slice %arg7[%dma_wait3A_171] : memref<16384xf32, #tpu.memory_space<vmem>> -> memref<1024xf32, #tpu.memory_space<vmem>>
    %dma_wait3A_173 = tpu.memref_slice %arg4[%mul3A_10] : memref<524288xf32, #tpu.memory_space<hbm>> -> memref<1024xf32, #tpu.memory_space<hbm>>
    %dma_wait3A_174 = arith.constant 1024 : i32
    %dma_wait3A_175 = tpu.memref_slice %arg7[%dma_wait3A_174] : memref<16384xf32, #tpu.memory_space<vmem>> -> memref<1024xf32, #tpu.memory_space<vmem>>
    %dma_wait3A_176 = tpu.memref_slice %arg4[%mul3A_10] : memref<524288xf32, #tpu.memory_space<hbm>> -> memref<1024xf32, #tpu.memory_space<hbm>>
    tpu.wait_dma2 semaphore(%arg10 : memref<!tpu.dma_semaphore, #tpu.memory_space<semaphore_mem>>) src(%dma_wait3A_176 : memref<1024xf32, #tpu.memory_space<hbm>>) dst(%dma_wait3A_175 : memref<1024xf32, #tpu.memory_space<vmem>>)
    %dma_wait3A_177 = arith.constant 2048 : i32
    %dma_wait3A_178 = tpu.memref_slice %arg7[%dma_wait3A_177] : memref<16384xf32, #tpu.memory_space<vmem>> -> memref<1024xf32, #tpu.memory_space<vmem>>
    %dma_wait3A_179 = tpu.memref_slice %arg4[%mul3A_14] : memref<524288xf32, #tpu.memory_space<hbm>> -> memref<1024xf32, #tpu.memory_space<hbm>>
    %dma_wait3A_180 = arith.constant 2048 : i32
    %dma_wait3A_181 = tpu.memref_slice %arg7[%dma_wait3A_180] : memref<16384xf32, #tpu.memory_space<vmem>> -> memref<1024xf32, #tpu.memory_space<vmem>>
    %dma_wait3A_182 = tpu.memref_slice %arg4[%mul3A_14] : memref<524288xf32, #tpu.memory_space<hbm>> -> memref<1024xf32, #tpu.memory_space<hbm>>
    tpu.wait_dma2 semaphore(%arg10 : memref<!tpu.dma_semaphore, #tpu.memory_space<semaphore_mem>>) src(%dma_wait3A_182 : memref<1024xf32, #tpu.memory_space<hbm>>) dst(%dma_wait3A_181 : memref<1024xf32, #tpu.memory_space<vmem>>)
    %dma_wait3A_183 = arith.constant 3072 : i32
    %dma_wait3A_184 = tpu.memref_slice %arg7[%dma_wait3A_183] : memref<16384xf32, #tpu.memory_space<vmem>> -> memref<1024xf32, #tpu.memory_space<vmem>>
    %dma_wait3A_185 = tpu.memref_slice %arg4[%mul3A_18] : memref<524288xf32, #tpu.memory_space<hbm>> -> memref<1024xf32, #tpu.memory_space<hbm>>
    %dma_wait3A_186 = arith.constant 3072 : i32
    %dma_wait3A_187 = tpu.memref_slice %arg7[%dma_wait3A_186] : memref<16384xf32, #tpu.memory_space<vmem>> -> memref<1024xf32, #tpu.memory_space<vmem>>
    %dma_wait3A_188 = tpu.memref_slice %arg4[%mul3A_18] : memref<524288xf32, #tpu.memory_space<hbm>> -> memref<1024xf32, #tpu.memory_space<hbm>>
    tpu.wait_dma2 semaphore(%arg10 : memref<!tpu.dma_semaphore, #tpu.memory_space<semaphore_mem>>) src(%dma_wait3A_188 : memref<1024xf32, #tpu.memory_space<hbm>>) dst(%dma_wait3A_187 : memref<1024xf32, #tpu.memory_space<vmem>>)
    %dma_wait3A_189 = arith.constant 4096 : i32
    %dma_wait3A_190 = tpu.memref_slice %arg7[%dma_wait3A_189] : memref<16384xf32, #tpu.memory_space<vmem>> -> memref<1024xf32, #tpu.memory_space<vmem>>
    %dma_wait3A_191 = tpu.memref_slice %arg4[%mul3A_22] : memref<524288xf32, #tpu.memory_space<hbm>> -> memref<1024xf32, #tpu.memory_space<hbm>>
    %dma_wait3A_192 = arith.constant 4096 : i32
    %dma_wait3A_193 = tpu.memref_slice %arg7[%dma_wait3A_192] : memref<16384xf32, #tpu.memory_space<vmem>> -> memref<1024xf32, #tpu.memory_space<vmem>>
    %dma_wait3A_194 = tpu.memref_slice %arg4[%mul3A_22] : memref<524288xf32, #tpu.memory_space<hbm>> -> memref<1024xf32, #tpu.memory_space<hbm>>
    tpu.wait_dma2 semaphore(%arg10 : memref<!tpu.dma_semaphore, #tpu.memory_space<semaphore_mem>>) src(%dma_wait3A_194 : memref<1024xf32, #tpu.memory_space<hbm>>) dst(%dma_wait3A_193 : memref<1024xf32, #tpu.memory_space<vmem>>)
    %dma_wait3A_195 = arith.constant 5120 : i32
    %dma_wait3A_196 = tpu.memref_slice %arg7[%dma_wait3A_195] : memref<16384xf32, #tpu.memory_space<vmem>> -> memref<1024xf32, #tpu.memory_space<vmem>>
    %dma_wait3A_197 = tpu.memref_slice %arg4[%mul3A_26] : memref<524288xf32, #tpu.memory_space<hbm>> -> memref<1024xf32, #tpu.memory_space<hbm>>
    %dma_wait3A_198 = arith.constant 5120 : i32
    %dma_wait3A_199 = tpu.memref_slice %arg7[%dma_wait3A_198] : memref<16384xf32, #tpu.memory_space<vmem>> -> memref<1024xf32, #tpu.memory_space<vmem>>
    %dma_wait3A_200 = tpu.memref_slice %arg4[%mul3A_26] : memref<524288xf32, #tpu.memory_space<hbm>> -> memref<1024xf32, #tpu.memory_space<hbm>>
    tpu.wait_dma2 semaphore(%arg10 : memref<!tpu.dma_semaphore, #tpu.memory_space<semaphore_mem>>) src(%dma_wait3A_200 : memref<1024xf32, #tpu.memory_space<hbm>>) dst(%dma_wait3A_199 : memref<1024xf32, #tpu.memory_space<vmem>>)
    %dma_wait3A_201 = arith.constant 6144 : i32
    %dma_wait3A_202 = tpu.memref_slice %arg7[%dma_wait3A_201] : memref<16384xf32, #tpu.memory_space<vmem>> -> memref<1024xf32, #tpu.memory_space<vmem>>
    %dma_wait3A_203 = tpu.memref_slice %arg4[%mul3A_30] : memref<524288xf32, #tpu.memory_space<hbm>> -> memref<1024xf32, #tpu.memory_space<hbm>>
    %dma_wait3A_204 = arith.constant 6144 : i32
    %dma_wait3A_205 = tpu.memref_slice %arg7[%dma_wait3A_204] : memref<16384xf32, #tpu.memory_space<vmem>> -> memref<1024xf32, #tpu.memory_space<vmem>>
    %dma_wait3A_206 = tpu.memref_slice %arg4[%mul3A_30] : memref<524288xf32, #tpu.memory_space<hbm>> -> memref<1024xf32, #tpu.memory_space<hbm>>
    tpu.wait_dma2 semaphore(%arg10 : memref<!tpu.dma_semaphore, #tpu.memory_space<semaphore_mem>>) src(%dma_wait3A_206 : memref<1024xf32, #tpu.memory_space<hbm>>) dst(%dma_wait3A_205 : memref<1024xf32, #tpu.memory_space<vmem>>)
    %dma_wait3A_207 = arith.constant 7168 : i32
    %dma_wait3A_208 = tpu.memref_slice %arg7[%dma_wait3A_207] : memref<16384xf32, #tpu.memory_space<vmem>> -> memref<1024xf32, #tpu.memory_space<vmem>>
    %dma_wait3A_209 = tpu.memref_slice %arg4[%mul3A_34] : memref<524288xf32, #tpu.memory_space<hbm>> -> memref<1024xf32, #tpu.memory_space<hbm>>
    %dma_wait3A_210 = arith.constant 7168 : i32
    %dma_wait3A_211 = tpu.memref_slice %arg7[%dma_wait3A_210] : memref<16384xf32, #tpu.memory_space<vmem>> -> memref<1024xf32, #tpu.memory_space<vmem>>
    %dma_wait3A_212 = tpu.memref_slice %arg4[%mul3A_34] : memref<524288xf32, #tpu.memory_space<hbm>> -> memref<1024xf32, #tpu.memory_space<hbm>>
    tpu.wait_dma2 semaphore(%arg10 : memref<!tpu.dma_semaphore, #tpu.memory_space<semaphore_mem>>) src(%dma_wait3A_212 : memref<1024xf32, #tpu.memory_space<hbm>>) dst(%dma_wait3A_211 : memref<1024xf32, #tpu.memory_space<vmem>>)
    %dma_wait3A_213 = arith.constant 8192 : i32
    %dma_wait3A_214 = tpu.memref_slice %arg7[%dma_wait3A_213] : memref<16384xf32, #tpu.memory_space<vmem>> -> memref<1024xf32, #tpu.memory_space<vmem>>
    %dma_wait3A_215 = tpu.memref_slice %arg4[%mul3A_38] : memref<524288xf32, #tpu.memory_space<hbm>> -> memref<1024xf32, #tpu.memory_space<hbm>>
    %dma_wait3A_216 = arith.constant 8192 : i32
    %dma_wait3A_217 = tpu.memref_slice %arg7[%dma_wait3A_216] : memref<16384xf32, #tpu.memory_space<vmem>> -> memref<1024xf32, #tpu.memory_space<vmem>>
    %dma_wait3A_218 = tpu.memref_slice %arg4[%mul3A_38] : memref<524288xf32, #tpu.memory_space<hbm>> -> memref<1024xf32, #tpu.memory_space<hbm>>
    tpu.wait_dma2 semaphore(%arg10 : memref<!tpu.dma_semaphore, #tpu.memory_space<semaphore_mem>>) src(%dma_wait3A_218 : memref<1024xf32, #tpu.memory_space<hbm>>) dst(%dma_wait3A_217 : memref<1024xf32, #tpu.memory_space<vmem>>)
    %dma_wait3A_219 = arith.constant 9216 : i32
    %dma_wait3A_220 = tpu.memref_slice %arg7[%dma_wait3A_219] : memref<16384xf32, #tpu.memory_space<vmem>> -> memref<1024xf32, #tpu.memory_space<vmem>>
    %dma_wait3A_221 = tpu.memref_slice %arg4[%mul3A_42] : memref<524288xf32, #tpu.memory_space<hbm>> -> memref<1024xf32, #tpu.memory_space<hbm>>
    %dma_wait3A_222 = arith.constant 9216 : i32
    %dma_wait3A_223 = tpu.memref_slice %arg7[%dma_wait3A_222] : memref<16384xf32, #tpu.memory_space<vmem>> -> memref<1024xf32, #tpu.memory_space<vmem>>
    %dma_wait3A_224 = tpu.memref_slice %arg4[%mul3A_42] : memref<524288xf32, #tpu.memory_space<hbm>> -> memref<1024xf32, #tpu.memory_space<hbm>>
    tpu.wait_dma2 semaphore(%arg10 : memref<!tpu.dma_semaphore, #tpu.memory_space<semaphore_mem>>) src(%dma_wait3A_224 : memref<1024xf32, #tpu.memory_space<hbm>>) dst(%dma_wait3A_223 : memref<1024xf32, #tpu.memory_space<vmem>>)
    %dma_wait3A_225 = arith.constant 10240 : i32
    %dma_wait3A_226 = tpu.memref_slice %arg7[%dma_wait3A_225] : memref<16384xf32, #tpu.memory_space<vmem>> -> memref<1024xf32, #tpu.memory_space<vmem>>
    %dma_wait3A_227 = tpu.memref_slice %arg4[%mul3A_46] : memref<524288xf32, #tpu.memory_space<hbm>> -> memref<1024xf32, #tpu.memory_space<hbm>>
    %dma_wait3A_228 = arith.constant 10240 : i32
    %dma_wait3A_229 = tpu.memref_slice %arg7[%dma_wait3A_228] : memref<16384xf32, #tpu.memory_space<vmem>> -> memref<1024xf32, #tpu.memory_space<vmem>>
    %dma_wait3A_230 = tpu.memref_slice %arg4[%mul3A_46] : memref<524288xf32, #tpu.memory_space<hbm>> -> memref<1024xf32, #tpu.memory_space<hbm>>
    tpu.wait_dma2 semaphore(%arg10 : memref<!tpu.dma_semaphore, #tpu.memory_space<semaphore_mem>>) src(%dma_wait3A_230 : memref<1024xf32, #tpu.memory_space<hbm>>) dst(%dma_wait3A_229 : memref<1024xf32, #tpu.memory_space<vmem>>)
    %dma_wait3A_231 = arith.constant 11264 : i32
    %dma_wait3A_232 = tpu.memref_slice %arg7[%dma_wait3A_231] : memref<16384xf32, #tpu.memory_space<vmem>> -> memref<1024xf32, #tpu.memory_space<vmem>>
    %dma_wait3A_233 = tpu.memref_slice %arg4[%mul3A_50] : memref<524288xf32, #tpu.memory_space<hbm>> -> memref<1024xf32, #tpu.memory_space<hbm>>
    %dma_wait3A_234 = arith.constant 11264 : i32
    %dma_wait3A_235 = tpu.memref_slice %arg7[%dma_wait3A_234] : memref<16384xf32, #tpu.memory_space<vmem>> -> memref<1024xf32, #tpu.memory_space<vmem>>
    %dma_wait3A_236 = tpu.memref_slice %arg4[%mul3A_50] : memref<524288xf32, #tpu.memory_space<hbm>> -> memref<1024xf32, #tpu.memory_space<hbm>>
    tpu.wait_dma2 semaphore(%arg10 : memref<!tpu.dma_semaphore, #tpu.memory_space<semaphore_mem>>) src(%dma_wait3A_236 : memref<1024xf32, #tpu.memory_space<hbm>>) dst(%dma_wait3A_235 : memref<1024xf32, #tpu.memory_space<vmem>>)
    %dma_wait3A_237 = arith.constant 12288 : i32
    %dma_wait3A_238 = tpu.memref_slice %arg7[%dma_wait3A_237] : memref<16384xf32, #tpu.memory_space<vmem>> -> memref<1024xf32, #tpu.memory_space<vmem>>
    %dma_wait3A_239 = tpu.memref_slice %arg4[%mul3A_54] : memref<524288xf32, #tpu.memory_space<hbm>> -> memref<1024xf32, #tpu.memory_space<hbm>>
    %dma_wait3A_240 = arith.constant 12288 : i32
    %dma_wait3A_241 = tpu.memref_slice %arg7[%dma_wait3A_240] : memref<16384xf32, #tpu.memory_space<vmem>> -> memref<1024xf32, #tpu.memory_space<vmem>>
    %dma_wait3A_242 = tpu.memref_slice %arg4[%mul3A_54] : memref<524288xf32, #tpu.memory_space<hbm>> -> memref<1024xf32, #tpu.memory_space<hbm>>
    tpu.wait_dma2 semaphore(%arg10 : memref<!tpu.dma_semaphore, #tpu.memory_space<semaphore_mem>>) src(%dma_wait3A_242 : memref<1024xf32, #tpu.memory_space<hbm>>) dst(%dma_wait3A_241 : memref<1024xf32, #tpu.memory_space<vmem>>)
    %dma_wait3A_243 = arith.constant 13312 : i32
    %dma_wait3A_244 = tpu.memref_slice %arg7[%dma_wait3A_243] : memref<16384xf32, #tpu.memory_space<vmem>> -> memref<1024xf32, #tpu.memory_space<vmem>>
    %dma_wait3A_245 = tpu.memref_slice %arg4[%mul3A_58] : memref<524288xf32, #tpu.memory_space<hbm>> -> memref<1024xf32, #tpu.memory_space<hbm>>
    %dma_wait3A_246 = arith.constant 13312 : i32
    %dma_wait3A_247 = tpu.memref_slice %arg7[%dma_wait3A_246] : memref<16384xf32, #tpu.memory_space<vmem>> -> memref<1024xf32, #tpu.memory_space<vmem>>
    %dma_wait3A_248 = tpu.memref_slice %arg4[%mul3A_58] : memref<524288xf32, #tpu.memory_space<hbm>> -> memref<1024xf32, #tpu.memory_space<hbm>>
    tpu.wait_dma2 semaphore(%arg10 : memref<!tpu.dma_semaphore, #tpu.memory_space<semaphore_mem>>) src(%dma_wait3A_248 : memref<1024xf32, #tpu.memory_space<hbm>>) dst(%dma_wait3A_247 : memref<1024xf32, #tpu.memory_space<vmem>>)
    %dma_wait3A_249 = arith.constant 14336 : i32
    %dma_wait3A_250 = tpu.memref_slice %arg7[%dma_wait3A_249] : memref<16384xf32, #tpu.memory_space<vmem>> -> memref<1024xf32, #tpu.memory_space<vmem>>
    %dma_wait3A_251 = tpu.memref_slice %arg4[%mul3A_62] : memref<524288xf32, #tpu.memory_space<hbm>> -> memref<1024xf32, #tpu.memory_space<hbm>>
    %dma_wait3A_252 = arith.constant 14336 : i32
    %dma_wait3A_253 = tpu.memref_slice %arg7[%dma_wait3A_252] : memref<16384xf32, #tpu.memory_space<vmem>> -> memref<1024xf32, #tpu.memory_space<vmem>>
    %dma_wait3A_254 = tpu.memref_slice %arg4[%mul3A_62] : memref<524288xf32, #tpu.memory_space<hbm>> -> memref<1024xf32, #tpu.memory_space<hbm>>
    tpu.wait_dma2 semaphore(%arg10 : memref<!tpu.dma_semaphore, #tpu.memory_space<semaphore_mem>>) src(%dma_wait3A_254 : memref<1024xf32, #tpu.memory_space<hbm>>) dst(%dma_wait3A_253 : memref<1024xf32, #tpu.memory_space<vmem>>)
    %dma_wait3A_255 = arith.constant 15360 : i32
    %dma_wait3A_256 = tpu.memref_slice %arg7[%dma_wait3A_255] : memref<16384xf32, #tpu.memory_space<vmem>> -> memref<1024xf32, #tpu.memory_space<vmem>>
    %dma_wait3A_257 = tpu.memref_slice %arg4[%mul3A_66] : memref<524288xf32, #tpu.memory_space<hbm>> -> memref<1024xf32, #tpu.memory_space<hbm>>
    %dma_wait3A_258 = arith.constant 15360 : i32
    %dma_wait3A_259 = tpu.memref_slice %arg7[%dma_wait3A_258] : memref<16384xf32, #tpu.memory_space<vmem>> -> memref<1024xf32, #tpu.memory_space<vmem>>
    %dma_wait3A_260 = tpu.memref_slice %arg4[%mul3A_66] : memref<524288xf32, #tpu.memory_space<hbm>> -> memref<1024xf32, #tpu.memory_space<hbm>>
    tpu.wait_dma2 semaphore(%arg10 : memref<!tpu.dma_semaphore, #tpu.memory_space<semaphore_mem>>) src(%dma_wait3A_260 : memref<1024xf32, #tpu.memory_space<hbm>>) dst(%dma_wait3A_259 : memref<1024xf32, #tpu.memory_space<vmem>>)
    %scan3A = arith.constant 0 : i32
    %scan3A_261 = arith.constant 0 : i32
    %scan3A_262 = arith.constant 1024 : i32
    %scan3A_263 = arith.addi %scan3A_261, %scan3A_262 : i32
    %scan3A_264 = arith.constant 1 : i32
    scf.for %scan3A_522 = %scan3A_261 to %scan3A_263 step %scan3A_264  : i32 {
      %mul3A_523 = arith.constant 16 : i32
      %mul3A_524 = arith.muli %scan3A_522, %mul3A_523 : i32
      %multiple_of3A = tpu.assume_multiple %mul3A_524, 16 : i32
      %get3A = arith.index_cast %multiple_of3A : i32 to index
      %get3A_525 = tpu.vector_load %arg6[%get3A] {strides = array<i32>} : memref<16384xi32, #tpu.memory_space<vmem>>, vector<16xi32>,
      %gather3A = tpu.vector_load_idx %arg9[%get3A_525] : memref<8192xf32, #tpu.memory_space<vmem>>[vector<16xi32>], vector<16xf32>,
      %get3A_526 = arith.index_cast %multiple_of3A : i32 to index
      %get3A_527 = tpu.vector_load %arg7[%get3A_526] {strides = array<i32>} : memref<16384xf32, #tpu.memory_space<vmem>>, vector<16xf32>,
      %sub3A = arith.subf %gather3A, %get3A_527 : vector<16xf32>
      %add3A_528 = arith.addf %get3A_527, %sub3A : vector<16xf32>
      %swap3A = arith.index_cast %multiple_of3A : i32 to index
      %swap3A_529 = tpu.vector_load %arg8[%swap3A] {strides = array<i32>} : memref<16384xf32, #tpu.memory_space<vmem>>, vector<16xf32>,
      tpu.vector_store %arg8[%swap3A], %add3A_528 {strides = array<i32>} : memref<16384xf32, #tpu.memory_space<vmem>>, vector<16xf32>,
    }
    %scan3A_265 = arith.constant 1024 : i32
    %add3A_266 = arith.constant 0 : i32
    %add3A_267 = arith.addi %add3A_266, %add3A : i32
    %mul3A_268 = arith.constant 1024 : i32
    %mul3A_269 = arith.muli %add3A_267, %mul3A_268 : i32
    %add3A_270 = arith.constant 32 : i32
    %add3A_271 = arith.addi %add3A_270, %add3A : i32
    %mul3A_272 = arith.constant 1024 : i32
    %mul3A_273 = arith.muli %add3A_271, %mul3A_272 : i32
    %add3A_274 = arith.constant 64 : i32
    %add3A_275 = arith.addi %add3A_274, %add3A : i32
    %mul3A_276 = arith.constant 1024 : i32
    %mul3A_277 = arith.muli %add3A_275, %mul3A_276 : i32
    %add3A_278 = arith.constant 96 : i32
    %add3A_279 = arith.addi %add3A_278, %add3A : i32
    %mul3A_280 = arith.constant 1024 : i32
    %mul3A_281 = arith.muli %add3A_279, %mul3A_280 : i32
    %add3A_282 = arith.constant 128 : i32
    %add3A_283 = arith.addi %add3A_282, %add3A : i32
    %mul3A_284 = arith.constant 1024 : i32
    %mul3A_285 = arith.muli %add3A_283, %mul3A_284 : i32
    %add3A_286 = arith.constant 160 : i32
    %add3A_287 = arith.addi %add3A_286, %add3A : i32
    %mul3A_288 = arith.constant 1024 : i32
    %mul3A_289 = arith.muli %add3A_287, %mul3A_288 : i32
    %add3A_290 = arith.constant 192 : i32
    %add3A_291 = arith.addi %add3A_290, %add3A : i32
    %mul3A_292 = arith.constant 1024 : i32
    %mul3A_293 = arith.muli %add3A_291, %mul3A_292 : i32
    %add3A_294 = arith.constant 224 : i32
    %add3A_295 = arith.addi %add3A_294, %add3A : i32
    %mul3A_296 = arith.constant 1024 : i32
    %mul3A_297 = arith.muli %add3A_295, %mul3A_296 : i32
    %add3A_298 = arith.constant 256 : i32
    %add3A_299 = arith.addi %add3A_298, %add3A : i32
    %mul3A_300 = arith.constant 1024 : i32
    %mul3A_301 = arith.muli %add3A_299, %mul3A_300 : i32
    %add3A_302 = arith.constant 288 : i32
    %add3A_303 = arith.addi %add3A_302, %add3A : i32
    %mul3A_304 = arith.constant 1024 : i32
    %mul3A_305 = arith.muli %add3A_303, %mul3A_304 : i32
    %add3A_306 = arith.constant 320 : i32
    %add3A_307 = arith.addi %add3A_306, %add3A : i32
    %mul3A_308 = arith.constant 1024 : i32
    %mul3A_309 = arith.muli %add3A_307, %mul3A_308 : i32
    %add3A_310 = arith.constant 352 : i32
    %add3A_311 = arith.addi %add3A_310, %add3A : i32
    %mul3A_312 = arith.constant 1024 : i32
    %mul3A_313 = arith.muli %add3A_311, %mul3A_312 : i32
    %add3A_314 = arith.constant 384 : i32
    %add3A_315 = arith.addi %add3A_314, %add3A : i32
    %mul3A_316 = arith.constant 1024 : i32
    %mul3A_317 = arith.muli %add3A_315, %mul3A_316 : i32
    %add3A_318 = arith.constant 416 : i32
    %add3A_319 = arith.addi %add3A_318, %add3A : i32
    %mul3A_320 = arith.constant 1024 : i32
    %mul3A_321 = arith.muli %add3A_319, %mul3A_320 : i32
    %add3A_322 = arith.constant 448 : i32
    %add3A_323 = arith.addi %add3A_322, %add3A : i32
    %mul3A_324 = arith.constant 1024 : i32
    %mul3A_325 = arith.muli %add3A_323, %mul3A_324 : i32
    %add3A_326 = arith.constant 480 : i32
    %add3A_327 = arith.addi %add3A_326, %add3A : i32
    %mul3A_328 = arith.constant 1024 : i32
    %mul3A_329 = arith.muli %add3A_327, %mul3A_328 : i32
    %dma_start3A_330 = arith.constant 0 : i32
    %dma_start3A_331 = tpu.memref_slice %arg8[%dma_start3A_330] : memref<16384xf32, #tpu.memory_space<vmem>> -> memref<1024xf32, #tpu.memory_space<vmem>>
    %dma_start3A_332 = tpu.memref_slice %arg5[%mul3A_269] : memref<524288xf32, #tpu.memory_space<hbm>> -> memref<1024xf32, #tpu.memory_space<hbm>>
    %dma_start3A_333 = tpu.memref_slice %arg5[%mul3A_269] : memref<524288xf32, #tpu.memory_space<hbm>> -> memref<1024xf32, #tpu.memory_space<hbm>>
    %dma_start3A_334 = arith.constant 0 : i32
    %dma_start3A_335 = tpu.memref_slice %arg8[%dma_start3A_334] : memref<16384xf32, #tpu.memory_space<vmem>> -> memref<1024xf32, #tpu.memory_space<vmem>>
    tpu.enqueue_dma source(%dma_start3A_335 : memref<1024xf32, #tpu.memory_space<vmem>>) target(%dma_start3A_333 : memref<1024xf32, #tpu.memory_space<hbm>>) target_semaphore(%arg10 : memref<!tpu.dma_semaphore, #tpu.memory_space<semaphore_mem>>)
    %dma_start3A_336 = arith.constant 1024 : i32
    %dma_start3A_337 = tpu.memref_slice %arg8[%dma_start3A_336] : memref<16384xf32, #tpu.memory_space<vmem>> -> memref<1024xf32, #tpu.memory_space<vmem>>
    %dma_start3A_338 = tpu.memref_slice %arg5[%mul3A_273] : memref<524288xf32, #tpu.memory_space<hbm>> -> memref<1024xf32, #tpu.memory_space<hbm>>
    %dma_start3A_339 = tpu.memref_slice %arg5[%mul3A_273] : memref<524288xf32, #tpu.memory_space<hbm>> -> memref<1024xf32, #tpu.memory_space<hbm>>
    %dma_start3A_340 = arith.constant 1024 : i32
    %dma_start3A_341 = tpu.memref_slice %arg8[%dma_start3A_340] : memref<16384xf32, #tpu.memory_space<vmem>> -> memref<1024xf32, #tpu.memory_space<vmem>>
    tpu.enqueue_dma source(%dma_start3A_341 : memref<1024xf32, #tpu.memory_space<vmem>>) target(%dma_start3A_339 : memref<1024xf32, #tpu.memory_space<hbm>>) target_semaphore(%arg10 : memref<!tpu.dma_semaphore, #tpu.memory_space<semaphore_mem>>)
    %dma_start3A_342 = arith.constant 2048 : i32
    %dma_start3A_343 = tpu.memref_slice %arg8[%dma_start3A_342] : memref<16384xf32, #tpu.memory_space<vmem>> -> memref<1024xf32, #tpu.memory_space<vmem>>
    %dma_start3A_344 = tpu.memref_slice %arg5[%mul3A_277] : memref<524288xf32, #tpu.memory_space<hbm>> -> memref<1024xf32, #tpu.memory_space<hbm>>
    %dma_start3A_345 = tpu.memref_slice %arg5[%mul3A_277] : memref<524288xf32, #tpu.memory_space<hbm>> -> memref<1024xf32, #tpu.memory_space<hbm>>
    %dma_start3A_346 = arith.constant 2048 : i32
    %dma_start3A_347 = tpu.memref_slice %arg8[%dma_start3A_346] : memref<16384xf32, #tpu.memory_space<vmem>> -> memref<1024xf32, #tpu.memory_space<vmem>>
    tpu.enqueue_dma source(%dma_start3A_347 : memref<1024xf32, #tpu.memory_space<vmem>>) target(%dma_start3A_345 : memref<1024xf32, #tpu.memory_space<hbm>>) target_semaphore(%arg10 : memref<!tpu.dma_semaphore, #tpu.memory_space<semaphore_mem>>)
    %dma_start3A_348 = arith.constant 3072 : i32
    %dma_start3A_349 = tpu.memref_slice %arg8[%dma_start3A_348] : memref<16384xf32, #tpu.memory_space<vmem>> -> memref<1024xf32, #tpu.memory_space<vmem>>
    %dma_start3A_350 = tpu.memref_slice %arg5[%mul3A_281] : memref<524288xf32, #tpu.memory_space<hbm>> -> memref<1024xf32, #tpu.memory_space<hbm>>
    %dma_start3A_351 = tpu.memref_slice %arg5[%mul3A_281] : memref<524288xf32, #tpu.memory_space<hbm>> -> memref<1024xf32, #tpu.memory_space<hbm>>
    %dma_start3A_352 = arith.constant 3072 : i32
    %dma_start3A_353 = tpu.memref_slice %arg8[%dma_start3A_352] : memref<16384xf32, #tpu.memory_space<vmem>> -> memref<1024xf32, #tpu.memory_space<vmem>>
    tpu.enqueue_dma source(%dma_start3A_353 : memref<1024xf32, #tpu.memory_space<vmem>>) target(%dma_start3A_351 : memref<1024xf32, #tpu.memory_space<hbm>>) target_semaphore(%arg10 : memref<!tpu.dma_semaphore, #tpu.memory_space<semaphore_mem>>)
    %dma_start3A_354 = arith.constant 4096 : i32
    %dma_start3A_355 = tpu.memref_slice %arg8[%dma_start3A_354] : memref<16384xf32, #tpu.memory_space<vmem>> -> memref<1024xf32, #tpu.memory_space<vmem>>
    %dma_start3A_356 = tpu.memref_slice %arg5[%mul3A_285] : memref<524288xf32, #tpu.memory_space<hbm>> -> memref<1024xf32, #tpu.memory_space<hbm>>
    %dma_start3A_357 = tpu.memref_slice %arg5[%mul3A_285] : memref<524288xf32, #tpu.memory_space<hbm>> -> memref<1024xf32, #tpu.memory_space<hbm>>
    %dma_start3A_358 = arith.constant 4096 : i32
    %dma_start3A_359 = tpu.memref_slice %arg8[%dma_start3A_358] : memref<16384xf32, #tpu.memory_space<vmem>> -> memref<1024xf32, #tpu.memory_space<vmem>>
    tpu.enqueue_dma source(%dma_start3A_359 : memref<1024xf32, #tpu.memory_space<vmem>>) target(%dma_start3A_357 : memref<1024xf32, #tpu.memory_space<hbm>>) target_semaphore(%arg10 : memref<!tpu.dma_semaphore, #tpu.memory_space<semaphore_mem>>)
    %dma_start3A_360 = arith.constant 5120 : i32
    %dma_start3A_361 = tpu.memref_slice %arg8[%dma_start3A_360] : memref<16384xf32, #tpu.memory_space<vmem>> -> memref<1024xf32, #tpu.memory_space<vmem>>
    %dma_start3A_362 = tpu.memref_slice %arg5[%mul3A_289] : memref<524288xf32, #tpu.memory_space<hbm>> -> memref<1024xf32, #tpu.memory_space<hbm>>
    %dma_start3A_363 = tpu.memref_slice %arg5[%mul3A_289] : memref<524288xf32, #tpu.memory_space<hbm>> -> memref<1024xf32, #tpu.memory_space<hbm>>
    %dma_start3A_364 = arith.constant 5120 : i32
    %dma_start3A_365 = tpu.memref_slice %arg8[%dma_start3A_364] : memref<16384xf32, #tpu.memory_space<vmem>> -> memref<1024xf32, #tpu.memory_space<vmem>>
    tpu.enqueue_dma source(%dma_start3A_365 : memref<1024xf32, #tpu.memory_space<vmem>>) target(%dma_start3A_363 : memref<1024xf32, #tpu.memory_space<hbm>>) target_semaphore(%arg10 : memref<!tpu.dma_semaphore, #tpu.memory_space<semaphore_mem>>)
    %dma_start3A_366 = arith.constant 6144 : i32
    %dma_start3A_367 = tpu.memref_slice %arg8[%dma_start3A_366] : memref<16384xf32, #tpu.memory_space<vmem>> -> memref<1024xf32, #tpu.memory_space<vmem>>
    %dma_start3A_368 = tpu.memref_slice %arg5[%mul3A_293] : memref<524288xf32, #tpu.memory_space<hbm>> -> memref<1024xf32, #tpu.memory_space<hbm>>
    %dma_start3A_369 = tpu.memref_slice %arg5[%mul3A_293] : memref<524288xf32, #tpu.memory_space<hbm>> -> memref<1024xf32, #tpu.memory_space<hbm>>
    %dma_start3A_370 = arith.constant 6144 : i32
    %dma_start3A_371 = tpu.memref_slice %arg8[%dma_start3A_370] : memref<16384xf32, #tpu.memory_space<vmem>> -> memref<1024xf32, #tpu.memory_space<vmem>>
    tpu.enqueue_dma source(%dma_start3A_371 : memref<1024xf32, #tpu.memory_space<vmem>>) target(%dma_start3A_369 : memref<1024xf32, #tpu.memory_space<hbm>>) target_semaphore(%arg10 : memref<!tpu.dma_semaphore, #tpu.memory_space<semaphore_mem>>)
    %dma_start3A_372 = arith.constant 7168 : i32
    %dma_start3A_373 = tpu.memref_slice %arg8[%dma_start3A_372] : memref<16384xf32, #tpu.memory_space<vmem>> -> memref<1024xf32, #tpu.memory_space<vmem>>
    %dma_start3A_374 = tpu.memref_slice %arg5[%mul3A_297] : memref<524288xf32, #tpu.memory_space<hbm>> -> memref<1024xf32, #tpu.memory_space<hbm>>
    %dma_start3A_375 = tpu.memref_slice %arg5[%mul3A_297] : memref<524288xf32, #tpu.memory_space<hbm>> -> memref<1024xf32, #tpu.memory_space<hbm>>
    %dma_start3A_376 = arith.constant 7168 : i32
    %dma_start3A_377 = tpu.memref_slice %arg8[%dma_start3A_376] : memref<16384xf32, #tpu.memory_space<vmem>> -> memref<1024xf32, #tpu.memory_space<vmem>>
    tpu.enqueue_dma source(%dma_start3A_377 : memref<1024xf32, #tpu.memory_space<vmem>>) target(%dma_start3A_375 : memref<1024xf32, #tpu.memory_space<hbm>>) target_semaphore(%arg10 : memref<!tpu.dma_semaphore, #tpu.memory_space<semaphore_mem>>)
    %dma_start3A_378 = arith.constant 8192 : i32
    %dma_start3A_379 = tpu.memref_slice %arg8[%dma_start3A_378] : memref<16384xf32, #tpu.memory_space<vmem>> -> memref<1024xf32, #tpu.memory_space<vmem>>
    %dma_start3A_380 = tpu.memref_slice %arg5[%mul3A_301] : memref<524288xf32, #tpu.memory_space<hbm>> -> memref<1024xf32, #tpu.memory_space<hbm>>
    %dma_start3A_381 = tpu.memref_slice %arg5[%mul3A_301] : memref<524288xf32, #tpu.memory_space<hbm>> -> memref<1024xf32, #tpu.memory_space<hbm>>
    %dma_start3A_382 = arith.constant 8192 : i32
    %dma_start3A_383 = tpu.memref_slice %arg8[%dma_start3A_382] : memref<16384xf32, #tpu.memory_space<vmem>> -> memref<1024xf32, #tpu.memory_space<vmem>>
    tpu.enqueue_dma source(%dma_start3A_383 : memref<1024xf32, #tpu.memory_space<vmem>>) target(%dma_start3A_381 : memref<1024xf32, #tpu.memory_space<hbm>>) target_semaphore(%arg10 : memref<!tpu.dma_semaphore, #tpu.memory_space<semaphore_mem>>)
    %dma_start3A_384 = arith.constant 9216 : i32
    %dma_start3A_385 = tpu.memref_slice %arg8[%dma_start3A_384] : memref<16384xf32, #tpu.memory_space<vmem>> -> memref<1024xf32, #tpu.memory_space<vmem>>
    %dma_start3A_386 = tpu.memref_slice %arg5[%mul3A_305] : memref<524288xf32, #tpu.memory_space<hbm>> -> memref<1024xf32, #tpu.memory_space<hbm>>
    %dma_start3A_387 = tpu.memref_slice %arg5[%mul3A_305] : memref<524288xf32, #tpu.memory_space<hbm>> -> memref<1024xf32, #tpu.memory_space<hbm>>
    %dma_start3A_388 = arith.constant 9216 : i32
    %dma_start3A_389 = tpu.memref_slice %arg8[%dma_start3A_388] : memref<16384xf32, #tpu.memory_space<vmem>> -> memref<1024xf32, #tpu.memory_space<vmem>>
    tpu.enqueue_dma source(%dma_start3A_389 : memref<1024xf32, #tpu.memory_space<vmem>>) target(%dma_start3A_387 : memref<1024xf32, #tpu.memory_space<hbm>>) target_semaphore(%arg10 : memref<!tpu.dma_semaphore, #tpu.memory_space<semaphore_mem>>)
    %dma_start3A_390 = arith.constant 10240 : i32
    %dma_start3A_391 = tpu.memref_slice %arg8[%dma_start3A_390] : memref<16384xf32, #tpu.memory_space<vmem>> -> memref<1024xf32, #tpu.memory_space<vmem>>
    %dma_start3A_392 = tpu.memref_slice %arg5[%mul3A_309] : memref<524288xf32, #tpu.memory_space<hbm>> -> memref<1024xf32, #tpu.memory_space<hbm>>
    %dma_start3A_393 = tpu.memref_slice %arg5[%mul3A_309] : memref<524288xf32, #tpu.memory_space<hbm>> -> memref<1024xf32, #tpu.memory_space<hbm>>
    %dma_start3A_394 = arith.constant 10240 : i32
    %dma_start3A_395 = tpu.memref_slice %arg8[%dma_start3A_394] : memref<16384xf32, #tpu.memory_space<vmem>> -> memref<1024xf32, #tpu.memory_space<vmem>>
    tpu.enqueue_dma source(%dma_start3A_395 : memref<1024xf32, #tpu.memory_space<vmem>>) target(%dma_start3A_393 : memref<1024xf32, #tpu.memory_space<hbm>>) target_semaphore(%arg10 : memref<!tpu.dma_semaphore, #tpu.memory_space<semaphore_mem>>)
    %dma_start3A_396 = arith.constant 11264 : i32
    %dma_start3A_397 = tpu.memref_slice %arg8[%dma_start3A_396] : memref<16384xf32, #tpu.memory_space<vmem>> -> memref<1024xf32, #tpu.memory_space<vmem>>
    %dma_start3A_398 = tpu.memref_slice %arg5[%mul3A_313] : memref<524288xf32, #tpu.memory_space<hbm>> -> memref<1024xf32, #tpu.memory_space<hbm>>
    %dma_start3A_399 = tpu.memref_slice %arg5[%mul3A_313] : memref<524288xf32, #tpu.memory_space<hbm>> -> memref<1024xf32, #tpu.memory_space<hbm>>
    %dma_start3A_400 = arith.constant 11264 : i32
    %dma_start3A_401 = tpu.memref_slice %arg8[%dma_start3A_400] : memref<16384xf32, #tpu.memory_space<vmem>> -> memref<1024xf32, #tpu.memory_space<vmem>>
    tpu.enqueue_dma source(%dma_start3A_401 : memref<1024xf32, #tpu.memory_space<vmem>>) target(%dma_start3A_399 : memref<1024xf32, #tpu.memory_space<hbm>>) target_semaphore(%arg10 : memref<!tpu.dma_semaphore, #tpu.memory_space<semaphore_mem>>)
    %dma_start3A_402 = arith.constant 12288 : i32
    %dma_start3A_403 = tpu.memref_slice %arg8[%dma_start3A_402] : memref<16384xf32, #tpu.memory_space<vmem>> -> memref<1024xf32, #tpu.memory_space<vmem>>
    %dma_start3A_404 = tpu.memref_slice %arg5[%mul3A_317] : memref<524288xf32, #tpu.memory_space<hbm>> -> memref<1024xf32, #tpu.memory_space<hbm>>
    %dma_start3A_405 = tpu.memref_slice %arg5[%mul3A_317] : memref<524288xf32, #tpu.memory_space<hbm>> -> memref<1024xf32, #tpu.memory_space<hbm>>
    %dma_start3A_406 = arith.constant 12288 : i32
    %dma_start3A_407 = tpu.memref_slice %arg8[%dma_start3A_406] : memref<16384xf32, #tpu.memory_space<vmem>> -> memref<1024xf32, #tpu.memory_space<vmem>>
    tpu.enqueue_dma source(%dma_start3A_407 : memref<1024xf32, #tpu.memory_space<vmem>>) target(%dma_start3A_405 : memref<1024xf32, #tpu.memory_space<hbm>>) target_semaphore(%arg10 : memref<!tpu.dma_semaphore, #tpu.memory_space<semaphore_mem>>)
    %dma_start3A_408 = arith.constant 13312 : i32
    %dma_start3A_409 = tpu.memref_slice %arg8[%dma_start3A_408] : memref<16384xf32, #tpu.memory_space<vmem>> -> memref<1024xf32, #tpu.memory_space<vmem>>
    %dma_start3A_410 = tpu.memref_slice %arg5[%mul3A_321] : memref<524288xf32, #tpu.memory_space<hbm>> -> memref<1024xf32, #tpu.memory_space<hbm>>
    %dma_start3A_411 = tpu.memref_slice %arg5[%mul3A_321] : memref<524288xf32, #tpu.memory_space<hbm>> -> memref<1024xf32, #tpu.memory_space<hbm>>
    %dma_start3A_412 = arith.constant 13312 : i32
    %dma_start3A_413 = tpu.memref_slice %arg8[%dma_start3A_412] : memref<16384xf32, #tpu.memory_space<vmem>> -> memref<1024xf32, #tpu.memory_space<vmem>>
    tpu.enqueue_dma source(%dma_start3A_413 : memref<1024xf32, #tpu.memory_space<vmem>>) target(%dma_start3A_411 : memref<1024xf32, #tpu.memory_space<hbm>>) target_semaphore(%arg10 : memref<!tpu.dma_semaphore, #tpu.memory_space<semaphore_mem>>)
    %dma_start3A_414 = arith.constant 14336 : i32
    %dma_start3A_415 = tpu.memref_slice %arg8[%dma_start3A_414] : memref<16384xf32, #tpu.memory_space<vmem>> -> memref<1024xf32, #tpu.memory_space<vmem>>
    %dma_start3A_416 = tpu.memref_slice %arg5[%mul3A_325] : memref<524288xf32, #tpu.memory_space<hbm>> -> memref<1024xf32, #tpu.memory_space<hbm>>
    %dma_start3A_417 = tpu.memref_slice %arg5[%mul3A_325] : memref<524288xf32, #tpu.memory_space<hbm>> -> memref<1024xf32, #tpu.memory_space<hbm>>
    %dma_start3A_418 = arith.constant 14336 : i32
    %dma_start3A_419 = tpu.memref_slice %arg8[%dma_start3A_418] : memref<16384xf32, #tpu.memory_space<vmem>> -> memref<1024xf32, #tpu.memory_space<vmem>>
    tpu.enqueue_dma source(%dma_start3A_419 : memref<1024xf32, #tpu.memory_space<vmem>>) target(%dma_start3A_417 : memref<1024xf32, #tpu.memory_space<hbm>>) target_semaphore(%arg10 : memref<!tpu.dma_semaphore, #tpu.memory_space<semaphore_mem>>)
    %dma_start3A_420 = arith.constant 15360 : i32
    %dma_start3A_421 = tpu.memref_slice %arg8[%dma_start3A_420] : memref<16384xf32, #tpu.memory_space<vmem>> -> memref<1024xf32, #tpu.memory_space<vmem>>
    %dma_start3A_422 = tpu.memref_slice %arg5[%mul3A_329] : memref<524288xf32, #tpu.memory_space<hbm>> -> memref<1024xf32, #tpu.memory_space<hbm>>
    %dma_start3A_423 = tpu.memref_slice %arg5[%mul3A_329] : memref<524288xf32, #tpu.memory_space<hbm>> -> memref<1024xf32, #tpu.memory_space<hbm>>
    %dma_start3A_424 = arith.constant 15360 : i32
    %dma_start3A_425 = tpu.memref_slice %arg8[%dma_start3A_424] : memref<16384xf32, #tpu.memory_space<vmem>> -> memref<1024xf32, #tpu.memory_space<vmem>>
    tpu.enqueue_dma source(%dma_start3A_425 : memref<1024xf32, #tpu.memory_space<vmem>>) target(%dma_start3A_423 : memref<1024xf32, #tpu.memory_space<hbm>>) target_semaphore(%arg10 : memref<!tpu.dma_semaphore, #tpu.memory_space<semaphore_mem>>)
    %dma_wait3A_426 = arith.constant 0 : i32
    %dma_wait3A_427 = tpu.memref_slice %arg8[%dma_wait3A_426] : memref<16384xf32, #tpu.memory_space<vmem>> -> memref<1024xf32, #tpu.memory_space<vmem>>
    %dma_wait3A_428 = tpu.memref_slice %arg5[%mul3A_269] : memref<524288xf32, #tpu.memory_space<hbm>> -> memref<1024xf32, #tpu.memory_space<hbm>>
    %dma_wait3A_429 = tpu.memref_slice %arg5[%mul3A_269] : memref<524288xf32, #tpu.memory_space<hbm>> -> memref<1024xf32, #tpu.memory_space<hbm>>
    %dma_wait3A_430 = arith.constant 0 : i32
    %dma_wait3A_431 = tpu.memref_slice %arg8[%dma_wait3A_430] : memref<16384xf32, #tpu.memory_space<vmem>> -> memref<1024xf32, #tpu.memory_space<vmem>>
    tpu.wait_dma2 semaphore(%arg10 : memref<!tpu.dma_semaphore, #tpu.memory_space<semaphore_mem>>) src(%dma_wait3A_431 : memref<1024xf32, #tpu.memory_space<vmem>>) dst(%dma_wait3A_429 : memref<1024xf32, #tpu.memory_space<hbm>>)
    %dma_wait3A_432 = arith.constant 1024 : i32
    %dma_wait3A_433 = tpu.memref_slice %arg8[%dma_wait3A_432] : memref<16384xf32, #tpu.memory_space<vmem>> -> memref<1024xf32, #tpu.memory_space<vmem>>
    %dma_wait3A_434 = tpu.memref_slice %arg5[%mul3A_273] : memref<524288xf32, #tpu.memory_space<hbm>> -> memref<1024xf32, #tpu.memory_space<hbm>>
    %dma_wait3A_435 = tpu.memref_slice %arg5[%mul3A_273] : memref<524288xf32, #tpu.memory_space<hbm>> -> memref<1024xf32, #tpu.memory_space<hbm>>
    %dma_wait3A_436 = arith.constant 1024 : i32
    %dma_wait3A_437 = tpu.memref_slice %arg8[%dma_wait3A_436] : memref<16384xf32, #tpu.memory_space<vmem>> -> memref<1024xf32, #tpu.memory_space<vmem>>
    tpu.wait_dma2 semaphore(%arg10 : memref<!tpu.dma_semaphore, #tpu.memory_space<semaphore_mem>>) src(%dma_wait3A_437 : memref<1024xf32, #tpu.memory_space<vmem>>) dst(%dma_wait3A_435 : memref<1024xf32, #tpu.memory_space<hbm>>)
    %dma_wait3A_438 = arith.constant 2048 : i32
    %dma_wait3A_439 = tpu.memref_slice %arg8[%dma_wait3A_438] : memref<16384xf32, #tpu.memory_space<vmem>> -> memref<1024xf32, #tpu.memory_space<vmem>>
    %dma_wait3A_440 = tpu.memref_slice %arg5[%mul3A_277] : memref<524288xf32, #tpu.memory_space<hbm>> -> memref<1024xf32, #tpu.memory_space<hbm>>
    %dma_wait3A_441 = tpu.memref_slice %arg5[%mul3A_277] : memref<524288xf32, #tpu.memory_space<hbm>> -> memref<1024xf32, #tpu.memory_space<hbm>>
    %dma_wait3A_442 = arith.constant 2048 : i32
    %dma_wait3A_443 = tpu.memref_slice %arg8[%dma_wait3A_442] : memref<16384xf32, #tpu.memory_space<vmem>> -> memref<1024xf32, #tpu.memory_space<vmem>>
    tpu.wait_dma2 semaphore(%arg10 : memref<!tpu.dma_semaphore, #tpu.memory_space<semaphore_mem>>) src(%dma_wait3A_443 : memref<1024xf32, #tpu.memory_space<vmem>>) dst(%dma_wait3A_441 : memref<1024xf32, #tpu.memory_space<hbm>>)
    %dma_wait3A_444 = arith.constant 3072 : i32
    %dma_wait3A_445 = tpu.memref_slice %arg8[%dma_wait3A_444] : memref<16384xf32, #tpu.memory_space<vmem>> -> memref<1024xf32, #tpu.memory_space<vmem>>
    %dma_wait3A_446 = tpu.memref_slice %arg5[%mul3A_281] : memref<524288xf32, #tpu.memory_space<hbm>> -> memref<1024xf32, #tpu.memory_space<hbm>>
    %dma_wait3A_447 = tpu.memref_slice %arg5[%mul3A_281] : memref<524288xf32, #tpu.memory_space<hbm>> -> memref<1024xf32, #tpu.memory_space<hbm>>
    %dma_wait3A_448 = arith.constant 3072 : i32
    %dma_wait3A_449 = tpu.memref_slice %arg8[%dma_wait3A_448] : memref<16384xf32, #tpu.memory_space<vmem>> -> memref<1024xf32, #tpu.memory_space<vmem>>
    tpu.wait_dma2 semaphore(%arg10 : memref<!tpu.dma_semaphore, #tpu.memory_space<semaphore_mem>>) src(%dma_wait3A_449 : memref<1024xf32, #tpu.memory_space<vmem>>) dst(%dma_wait3A_447 : memref<1024xf32, #tpu.memory_space<hbm>>)
    %dma_wait3A_450 = arith.constant 4096 : i32
    %dma_wait3A_451 = tpu.memref_slice %arg8[%dma_wait3A_450] : memref<16384xf32, #tpu.memory_space<vmem>> -> memref<1024xf32, #tpu.memory_space<vmem>>
    %dma_wait3A_452 = tpu.memref_slice %arg5[%mul3A_285] : memref<524288xf32, #tpu.memory_space<hbm>> -> memref<1024xf32, #tpu.memory_space<hbm>>
    %dma_wait3A_453 = tpu.memref_slice %arg5[%mul3A_285] : memref<524288xf32, #tpu.memory_space<hbm>> -> memref<1024xf32, #tpu.memory_space<hbm>>
    %dma_wait3A_454 = arith.constant 4096 : i32
    %dma_wait3A_455 = tpu.memref_slice %arg8[%dma_wait3A_454] : memref<16384xf32, #tpu.memory_space<vmem>> -> memref<1024xf32, #tpu.memory_space<vmem>>
    tpu.wait_dma2 semaphore(%arg10 : memref<!tpu.dma_semaphore, #tpu.memory_space<semaphore_mem>>) src(%dma_wait3A_455 : memref<1024xf32, #tpu.memory_space<vmem>>) dst(%dma_wait3A_453 : memref<1024xf32, #tpu.memory_space<hbm>>)
    %dma_wait3A_456 = arith.constant 5120 : i32
    %dma_wait3A_457 = tpu.memref_slice %arg8[%dma_wait3A_456] : memref<16384xf32, #tpu.memory_space<vmem>> -> memref<1024xf32, #tpu.memory_space<vmem>>
    %dma_wait3A_458 = tpu.memref_slice %arg5[%mul3A_289] : memref<524288xf32, #tpu.memory_space<hbm>> -> memref<1024xf32, #tpu.memory_space<hbm>>
    %dma_wait3A_459 = tpu.memref_slice %arg5[%mul3A_289] : memref<524288xf32, #tpu.memory_space<hbm>> -> memref<1024xf32, #tpu.memory_space<hbm>>
    %dma_wait3A_460 = arith.constant 5120 : i32
    %dma_wait3A_461 = tpu.memref_slice %arg8[%dma_wait3A_460] : memref<16384xf32, #tpu.memory_space<vmem>> -> memref<1024xf32, #tpu.memory_space<vmem>>
    tpu.wait_dma2 semaphore(%arg10 : memref<!tpu.dma_semaphore, #tpu.memory_space<semaphore_mem>>) src(%dma_wait3A_461 : memref<1024xf32, #tpu.memory_space<vmem>>) dst(%dma_wait3A_459 : memref<1024xf32, #tpu.memory_space<hbm>>)
    %dma_wait3A_462 = arith.constant 6144 : i32
    %dma_wait3A_463 = tpu.memref_slice %arg8[%dma_wait3A_462] : memref<16384xf32, #tpu.memory_space<vmem>> -> memref<1024xf32, #tpu.memory_space<vmem>>
    %dma_wait3A_464 = tpu.memref_slice %arg5[%mul3A_293] : memref<524288xf32, #tpu.memory_space<hbm>> -> memref<1024xf32, #tpu.memory_space<hbm>>
    %dma_wait3A_465 = tpu.memref_slice %arg5[%mul3A_293] : memref<524288xf32, #tpu.memory_space<hbm>> -> memref<1024xf32, #tpu.memory_space<hbm>>
    %dma_wait3A_466 = arith.constant 6144 : i32
    %dma_wait3A_467 = tpu.memref_slice %arg8[%dma_wait3A_466] : memref<16384xf32, #tpu.memory_space<vmem>> -> memref<1024xf32, #tpu.memory_space<vmem>>
    tpu.wait_dma2 semaphore(%arg10 : memref<!tpu.dma_semaphore, #tpu.memory_space<semaphore_mem>>) src(%dma_wait3A_467 : memref<1024xf32, #tpu.memory_space<vmem>>) dst(%dma_wait3A_465 : memref<1024xf32, #tpu.memory_space<hbm>>)
    %dma_wait3A_468 = arith.constant 7168 : i32
    %dma_wait3A_469 = tpu.memref_slice %arg8[%dma_wait3A_468] : memref<16384xf32, #tpu.memory_space<vmem>> -> memref<1024xf32, #tpu.memory_space<vmem>>
    %dma_wait3A_470 = tpu.memref_slice %arg5[%mul3A_297] : memref<524288xf32, #tpu.memory_space<hbm>> -> memref<1024xf32, #tpu.memory_space<hbm>>
    %dma_wait3A_471 = tpu.memref_slice %arg5[%mul3A_297] : memref<524288xf32, #tpu.memory_space<hbm>> -> memref<1024xf32, #tpu.memory_space<hbm>>
    %dma_wait3A_472 = arith.constant 7168 : i32
    %dma_wait3A_473 = tpu.memref_slice %arg8[%dma_wait3A_472] : memref<16384xf32, #tpu.memory_space<vmem>> -> memref<1024xf32, #tpu.memory_space<vmem>>
    tpu.wait_dma2 semaphore(%arg10 : memref<!tpu.dma_semaphore, #tpu.memory_space<semaphore_mem>>) src(%dma_wait3A_473 : memref<1024xf32, #tpu.memory_space<vmem>>) dst(%dma_wait3A_471 : memref<1024xf32, #tpu.memory_space<hbm>>)
    %dma_wait3A_474 = arith.constant 8192 : i32
    %dma_wait3A_475 = tpu.memref_slice %arg8[%dma_wait3A_474] : memref<16384xf32, #tpu.memory_space<vmem>> -> memref<1024xf32, #tpu.memory_space<vmem>>
    %dma_wait3A_476 = tpu.memref_slice %arg5[%mul3A_301] : memref<524288xf32, #tpu.memory_space<hbm>> -> memref<1024xf32, #tpu.memory_space<hbm>>
    %dma_wait3A_477 = tpu.memref_slice %arg5[%mul3A_301] : memref<524288xf32, #tpu.memory_space<hbm>> -> memref<1024xf32, #tpu.memory_space<hbm>>
    %dma_wait3A_478 = arith.constant 8192 : i32
    %dma_wait3A_479 = tpu.memref_slice %arg8[%dma_wait3A_478] : memref<16384xf32, #tpu.memory_space<vmem>> -> memref<1024xf32, #tpu.memory_space<vmem>>
    tpu.wait_dma2 semaphore(%arg10 : memref<!tpu.dma_semaphore, #tpu.memory_space<semaphore_mem>>) src(%dma_wait3A_479 : memref<1024xf32, #tpu.memory_space<vmem>>) dst(%dma_wait3A_477 : memref<1024xf32, #tpu.memory_space<hbm>>)
    %dma_wait3A_480 = arith.constant 9216 : i32
    %dma_wait3A_481 = tpu.memref_slice %arg8[%dma_wait3A_480] : memref<16384xf32, #tpu.memory_space<vmem>> -> memref<1024xf32, #tpu.memory_space<vmem>>
    %dma_wait3A_482 = tpu.memref_slice %arg5[%mul3A_305] : memref<524288xf32, #tpu.memory_space<hbm>> -> memref<1024xf32, #tpu.memory_space<hbm>>
    %dma_wait3A_483 = tpu.memref_slice %arg5[%mul3A_305] : memref<524288xf32, #tpu.memory_space<hbm>> -> memref<1024xf32, #tpu.memory_space<hbm>>
    %dma_wait3A_484 = arith.constant 9216 : i32
    %dma_wait3A_485 = tpu.memref_slice %arg8[%dma_wait3A_484] : memref<16384xf32, #tpu.memory_space<vmem>> -> memref<1024xf32, #tpu.memory_space<vmem>>
    tpu.wait_dma2 semaphore(%arg10 : memref<!tpu.dma_semaphore, #tpu.memory_space<semaphore_mem>>) src(%dma_wait3A_485 : memref<1024xf32, #tpu.memory_space<vmem>>) dst(%dma_wait3A_483 : memref<1024xf32, #tpu.memory_space<hbm>>)
    %dma_wait3A_486 = arith.constant 10240 : i32
    %dma_wait3A_487 = tpu.memref_slice %arg8[%dma_wait3A_486] : memref<16384xf32, #tpu.memory_space<vmem>> -> memref<1024xf32, #tpu.memory_space<vmem>>
    %dma_wait3A_488 = tpu.memref_slice %arg5[%mul3A_309] : memref<524288xf32, #tpu.memory_space<hbm>> -> memref<1024xf32, #tpu.memory_space<hbm>>
    %dma_wait3A_489 = tpu.memref_slice %arg5[%mul3A_309] : memref<524288xf32, #tpu.memory_space<hbm>> -> memref<1024xf32, #tpu.memory_space<hbm>>
    %dma_wait3A_490 = arith.constant 10240 : i32
    %dma_wait3A_491 = tpu.memref_slice %arg8[%dma_wait3A_490] : memref<16384xf32, #tpu.memory_space<vmem>> -> memref<1024xf32, #tpu.memory_space<vmem>>
    tpu.wait_dma2 semaphore(%arg10 : memref<!tpu.dma_semaphore, #tpu.memory_space<semaphore_mem>>) src(%dma_wait3A_491 : memref<1024xf32, #tpu.memory_space<vmem>>) dst(%dma_wait3A_489 : memref<1024xf32, #tpu.memory_space<hbm>>)
    %dma_wait3A_492 = arith.constant 11264 : i32
    %dma_wait3A_493 = tpu.memref_slice %arg8[%dma_wait3A_492] : memref<16384xf32, #tpu.memory_space<vmem>> -> memref<1024xf32, #tpu.memory_space<vmem>>
    %dma_wait3A_494 = tpu.memref_slice %arg5[%mul3A_313] : memref<524288xf32, #tpu.memory_space<hbm>> -> memref<1024xf32, #tpu.memory_space<hbm>>
    %dma_wait3A_495 = tpu.memref_slice %arg5[%mul3A_313] : memref<524288xf32, #tpu.memory_space<hbm>> -> memref<1024xf32, #tpu.memory_space<hbm>>
    %dma_wait3A_496 = arith.constant 11264 : i32
    %dma_wait3A_497 = tpu.memref_slice %arg8[%dma_wait3A_496] : memref<16384xf32, #tpu.memory_space<vmem>> -> memref<1024xf32, #tpu.memory_space<vmem>>
    tpu.wait_dma2 semaphore(%arg10 : memref<!tpu.dma_semaphore, #tpu.memory_space<semaphore_mem>>) src(%dma_wait3A_497 : memref<1024xf32, #tpu.memory_space<vmem>>) dst(%dma_wait3A_495 : memref<1024xf32, #tpu.memory_space<hbm>>)
    %dma_wait3A_498 = arith.constant 12288 : i32
    %dma_wait3A_499 = tpu.memref_slice %arg8[%dma_wait3A_498] : memref<16384xf32, #tpu.memory_space<vmem>> -> memref<1024xf32, #tpu.memory_space<vmem>>
    %dma_wait3A_500 = tpu.memref_slice %arg5[%mul3A_317] : memref<524288xf32, #tpu.memory_space<hbm>> -> memref<1024xf32, #tpu.memory_space<hbm>>
    %dma_wait3A_501 = tpu.memref_slice %arg5[%mul3A_317] : memref<524288xf32, #tpu.memory_space<hbm>> -> memref<1024xf32, #tpu.memory_space<hbm>>
    %dma_wait3A_502 = arith.constant 12288 : i32
    %dma_wait3A_503 = tpu.memref_slice %arg8[%dma_wait3A_502] : memref<16384xf32, #tpu.memory_space<vmem>> -> memref<1024xf32, #tpu.memory_space<vmem>>
    tpu.wait_dma2 semaphore(%arg10 : memref<!tpu.dma_semaphore, #tpu.memory_space<semaphore_mem>>) src(%dma_wait3A_503 : memref<1024xf32, #tpu.memory_space<vmem>>) dst(%dma_wait3A_501 : memref<1024xf32, #tpu.memory_space<hbm>>)
    %dma_wait3A_504 = arith.constant 13312 : i32
    %dma_wait3A_505 = tpu.memref_slice %arg8[%dma_wait3A_504] : memref<16384xf32, #tpu.memory_space<vmem>> -> memref<1024xf32, #tpu.memory_space<vmem>>
    %dma_wait3A_506 = tpu.memref_slice %arg5[%mul3A_321] : memref<524288xf32, #tpu.memory_space<hbm>> -> memref<1024xf32, #tpu.memory_space<hbm>>
    %dma_wait3A_507 = tpu.memref_slice %arg5[%mul3A_321] : memref<524288xf32, #tpu.memory_space<hbm>> -> memref<1024xf32, #tpu.memory_space<hbm>>
    %dma_wait3A_508 = arith.constant 13312 : i32
    %dma_wait3A_509 = tpu.memref_slice %arg8[%dma_wait3A_508] : memref<16384xf32, #tpu.memory_space<vmem>> -> memref<1024xf32, #tpu.memory_space<vmem>>
    tpu.wait_dma2 semaphore(%arg10 : memref<!tpu.dma_semaphore, #tpu.memory_space<semaphore_mem>>) src(%dma_wait3A_509 : memref<1024xf32, #tpu.memory_space<vmem>>) dst(%dma_wait3A_507 : memref<1024xf32, #tpu.memory_space<hbm>>)
    %dma_wait3A_510 = arith.constant 14336 : i32
    %dma_wait3A_511 = tpu.memref_slice %arg8[%dma_wait3A_510] : memref<16384xf32, #tpu.memory_space<vmem>> -> memref<1024xf32, #tpu.memory_space<vmem>>
    %dma_wait3A_512 = tpu.memref_slice %arg5[%mul3A_325] : memref<524288xf32, #tpu.memory_space<hbm>> -> memref<1024xf32, #tpu.memory_space<hbm>>
    %dma_wait3A_513 = tpu.memref_slice %arg5[%mul3A_325] : memref<524288xf32, #tpu.memory_space<hbm>> -> memref<1024xf32, #tpu.memory_space<hbm>>
    %dma_wait3A_514 = arith.constant 14336 : i32
    %dma_wait3A_515 = tpu.memref_slice %arg8[%dma_wait3A_514] : memref<16384xf32, #tpu.memory_space<vmem>> -> memref<1024xf32, #tpu.memory_space<vmem>>
    tpu.wait_dma2 semaphore(%arg10 : memref<!tpu.dma_semaphore, #tpu.memory_space<semaphore_mem>>) src(%dma_wait3A_515 : memref<1024xf32, #tpu.memory_space<vmem>>) dst(%dma_wait3A_513 : memref<1024xf32, #tpu.memory_space<hbm>>)
    %dma_wait3A_516 = arith.constant 15360 : i32
    %dma_wait3A_517 = tpu.memref_slice %arg8[%dma_wait3A_516] : memref<16384xf32, #tpu.memory_space<vmem>> -> memref<1024xf32, #tpu.memory_space<vmem>>
    %dma_wait3A_518 = tpu.memref_slice %arg5[%mul3A_329] : memref<524288xf32, #tpu.memory_space<hbm>> -> memref<1024xf32, #tpu.memory_space<hbm>>
    %dma_wait3A_519 = tpu.memref_slice %arg5[%mul3A_329] : memref<524288xf32, #tpu.memory_space<hbm>> -> memref<1024xf32, #tpu.memory_space<hbm>>
    %dma_wait3A_520 = arith.constant 15360 : i32
    %dma_wait3A_521 = tpu.memref_slice %arg8[%dma_wait3A_520] : memref<16384xf32, #tpu.memory_space<vmem>> -> memref<1024xf32, #tpu.memory_space<vmem>>
    tpu.wait_dma2 semaphore(%arg10 : memref<!tpu.dma_semaphore, #tpu.memory_space<semaphore_mem>>) src(%dma_wait3A_521 : memref<1024xf32, #tpu.memory_space<vmem>>) dst(%dma_wait3A_519 : memref<1024xf32, #tpu.memory_space<hbm>>)
    return
  }
}

module attributes {stable_mosaic.version = 14 : i64} {
  func.func @_dist_argmin_body(%arg0: i32, %arg1: memref<256x32xf32, #tpu.memory_space<vmem>>, %arg2: memref<8192x32xf32, #tpu.memory_space<vmem>>, %arg3: memref<1x1x256xi32, #tpu.memory_space<vmem>>, %arg4: memref<1x1xf32, #tpu.memory_space<smem>>) attributes {dimension_semantics = [#tpu.dimension_semantics<arbitrary>], iteration_bounds = array<i64: 64>, scalar_prefetch = 0 : i64, scratch_operands = 0 : i64, tpu.core_type = #tpu.core_type<tc>, window_params = [{transform_indices = @transform_0, window_bounds = array<i64: 256, 32>}, {pipeline_mode = #tpu.pipeline_mode<synchronous>, transform_indices = @transform_1, window_bounds = array<i64: 8192, 32>}, {transform_indices = @transform_2, window_bounds = array<i64: 1, 1, 256>}, {transform_indices = @transform_3, window_bounds = array<i64: 1, 1>}]} {
    %get3A = arith.constant 0 : index
    %get3A_0 = arith.constant 0 : index
    %get3A_1 = vector.load %arg1[%get3A, %get3A_0] : memref<256x32xf32, #tpu.memory_space<vmem>>, vector<256x32xf32>
    %mul3A = arith.mulf %get3A_1, %get3A_1 : vector<256x32xf32>
    %reduce_sum3A = arith.constant dense<0.000000e+00> : vector<256xf32>
    %reduce_sum3A_2 = vector.multi_reduction <add>, %mul3A, %reduce_sum3A [1] : vector<256x32xf32> to vector<256xf32>
    %broadcast_in_dim3A = vector.shape_cast %reduce_sum3A_2 : vector<256xf32> to vector<256x1xf32>
    %broadcast_in_dim3A_3 = arith.constant 3.400000e+38 : f32
    %broadcast_in_dim3A_4 = vector.broadcast %broadcast_in_dim3A_3 : f32 to vector<256xf32>
    %broadcast_in_dim3A_5 = arith.constant 0 : i32
    %broadcast_in_dim3A_6 = vector.broadcast %broadcast_in_dim3A_5 : i32 to vector<256xi32>
    %get3A_7 = arith.constant 0 : index
    %get3A_8 = arith.constant 0 : index
    %get3A_9 = vector.load %arg2[%get3A_7, %get3A_8] : memref<8192x32xf32, #tpu.memory_space<vmem>>, vector<512x32xf32>
    %mul3A_10 = arith.mulf %get3A_9, %get3A_9 : vector<512x32xf32>
    %reduce_sum3A_11 = arith.constant dense<0.000000e+00> : vector<512xf32>
    %reduce_sum3A_12 = vector.multi_reduction <add>, %mul3A_10, %reduce_sum3A_11 [1] : vector<512x32xf32> to vector<512xf32>
    %dot_general3A = arith.constant dense<0.000000e+00> : vector<256x512xf32>
    %dot_general3A_13 = tpu.matmul %get3A_1, %get3A_9, %dot_general3A {dimension_numbers = #tpu.dot_dimension_numbers<[1], [1], [0], [0], [0, 0, 1, 0], [], []>, transpose_lhs_hint = false} : vector<256x32xf32>, vector<512x32xf32>, vector<256x512xf32> -> vector<256x512xf32>
    %mul3A_14 = arith.constant 2.000000e+00 : f32
    %mul3A_15 = vector.broadcast %mul3A_14 : f32 to vector<256x512xf32>
    %mul3A_16 = arith.mulf %mul3A_15, %dot_general3A_13 : vector<256x512xf32>
    %sub3A = vector.broadcast %broadcast_in_dim3A : vector<256x1xf32> to vector<256x512xf32>
    %sub3A_17 = arith.subf %sub3A, %mul3A_16 : vector<256x512xf32>
    %broadcast_in_dim3A_18 = vector.shape_cast %reduce_sum3A_12 : vector<512xf32> to vector<1x512xf32>
    %add3A = vector.broadcast %broadcast_in_dim3A_18 : vector<1x512xf32> to vector<256x512xf32>
    %add3A_19 = arith.addf %sub3A_17, %add3A : vector<256x512xf32>
    %reduce_min3A = arith.constant dense<0x7F800000> : vector<256xf32>
    %reduce_min3A_20 = vector.multi_reduction <minimumf>, %add3A_19, %reduce_min3A [1] : vector<256x512xf32> to vector<256xf32>
    %iota3A = tpu.iota {dimensions = array<i32: 1>} : vector<256x512xi32>
    %broadcast_in_dim3A_21 = vector.shape_cast %reduce_min3A_20 : vector<256xf32> to vector<256x1xf32>
    %eq3A = vector.broadcast %broadcast_in_dim3A_21 : vector<256x1xf32> to vector<256x512xf32>
    %eq3A_22 = arith.cmpf oeq, %add3A_19, %eq3A : vector<256x512xf32>
    %jit3A = arith.constant 1073741824 : i32
    %broadcast_in_dim3A_23 = vector.broadcast %jit3A : i32 to vector<256x512xi32>
    %select_n3A = arith.select %eq3A_22, %iota3A, %broadcast_in_dim3A_23 : vector<256x512xi1>, vector<256x512xi32>
    %reduce_min3A_24 = arith.constant dense<2147483647> : vector<256xi32>
    %reduce_min3A_25 = vector.multi_reduction <minsi>, %select_n3A, %reduce_min3A_24 [1] : vector<256x512xi32> to vector<256xi32>
    %add3A_26 = arith.constant 0 : i32
    %add3A_27 = vector.broadcast %add3A_26 : i32 to vector<256xi32>
    %add3A_28 = arith.addi %reduce_min3A_25, %add3A_27 : vector<256xi32>
    %lt3A = arith.cmpf olt, %reduce_min3A_20, %broadcast_in_dim3A_4 : vector<256xf32>
    %select_n3A_29 = arith.select %lt3A, %reduce_min3A_20, %broadcast_in_dim3A_4 : vector<256xi1>, vector<256xf32>
    %select_n3A_30 = arith.select %lt3A, %add3A_28, %broadcast_in_dim3A_6 : vector<256xi1>, vector<256xi32>
    %get3A_31 = arith.constant 512 : index
    %get3A_32 = arith.constant 0 : index
    %get3A_33 = vector.load %arg2[%get3A_31, %get3A_32] : memref<8192x32xf32, #tpu.memory_space<vmem>>, vector<512x32xf32>
    %mul3A_34 = arith.mulf %get3A_33, %get3A_33 : vector<512x32xf32>
    %reduce_sum3A_35 = arith.constant dense<0.000000e+00> : vector<512xf32>
    %reduce_sum3A_36 = vector.multi_reduction <add>, %mul3A_34, %reduce_sum3A_35 [1] : vector<512x32xf32> to vector<512xf32>
    %dot_general3A_37 = arith.constant dense<0.000000e+00> : vector<256x512xf32>
    %dot_general3A_38 = tpu.matmul %get3A_1, %get3A_33, %dot_general3A_37 {dimension_numbers = #tpu.dot_dimension_numbers<[1], [1], [0], [0], [0, 0, 1, 0], [], []>, transpose_lhs_hint = false} : vector<256x32xf32>, vector<512x32xf32>, vector<256x512xf32> -> vector<256x512xf32>
    %mul3A_39 = arith.constant 2.000000e+00 : f32
    %mul3A_40 = vector.broadcast %mul3A_39 : f32 to vector<256x512xf32>
    %mul3A_41 = arith.mulf %mul3A_40, %dot_general3A_38 : vector<256x512xf32>
    %sub3A_42 = vector.broadcast %broadcast_in_dim3A : vector<256x1xf32> to vector<256x512xf32>
    %sub3A_43 = arith.subf %sub3A_42, %mul3A_41 : vector<256x512xf32>
    %broadcast_in_dim3A_44 = vector.shape_cast %reduce_sum3A_36 : vector<512xf32> to vector<1x512xf32>
    %add3A_45 = vector.broadcast %broadcast_in_dim3A_44 : vector<1x512xf32> to vector<256x512xf32>
    %add3A_46 = arith.addf %sub3A_43, %add3A_45 : vector<256x512xf32>
    %reduce_min3A_47 = arith.constant dense<0x7F800000> : vector<256xf32>
    %reduce_min3A_48 = vector.multi_reduction <minimumf>, %add3A_46, %reduce_min3A_47 [1] : vector<256x512xf32> to vector<256xf32>
    %iota3A_49 = tpu.iota {dimensions = array<i32: 1>} : vector<256x512xi32>
    %broadcast_in_dim3A_50 = vector.shape_cast %reduce_min3A_48 : vector<256xf32> to vector<256x1xf32>
    %eq3A_51 = vector.broadcast %broadcast_in_dim3A_50 : vector<256x1xf32> to vector<256x512xf32>
    %eq3A_52 = arith.cmpf oeq, %add3A_46, %eq3A_51 : vector<256x512xf32>
    %jit3A_53 = arith.constant 1073741824 : i32
    %broadcast_in_dim3A_54 = vector.broadcast %jit3A_53 : i32 to vector<256x512xi32>
    %select_n3A_55 = arith.select %eq3A_52, %iota3A_49, %broadcast_in_dim3A_54 : vector<256x512xi1>, vector<256x512xi32>
    %reduce_min3A_56 = arith.constant dense<2147483647> : vector<256xi32>
    %reduce_min3A_57 = vector.multi_reduction <minsi>, %select_n3A_55, %reduce_min3A_56 [1] : vector<256x512xi32> to vector<256xi32>
    %add3A_58 = arith.constant 512 : i32
    %add3A_59 = vector.broadcast %add3A_58 : i32 to vector<256xi32>
    %add3A_60 = arith.addi %reduce_min3A_57, %add3A_59 : vector<256xi32>
    %lt3A_61 = arith.cmpf olt, %reduce_min3A_48, %select_n3A_29 : vector<256xf32>
    %select_n3A_62 = arith.select %lt3A_61, %reduce_min3A_48, %select_n3A_29 : vector<256xi1>, vector<256xf32>
    %select_n3A_63 = arith.select %lt3A_61, %add3A_60, %select_n3A_30 : vector<256xi1>, vector<256xi32>
    %get3A_64 = arith.constant 1024 : index
    %get3A_65 = arith.constant 0 : index
    %get3A_66 = vector.load %arg2[%get3A_64, %get3A_65] : memref<8192x32xf32, #tpu.memory_space<vmem>>, vector<512x32xf32>
    %mul3A_67 = arith.mulf %get3A_66, %get3A_66 : vector<512x32xf32>
    %reduce_sum3A_68 = arith.constant dense<0.000000e+00> : vector<512xf32>
    %reduce_sum3A_69 = vector.multi_reduction <add>, %mul3A_67, %reduce_sum3A_68 [1] : vector<512x32xf32> to vector<512xf32>
    %dot_general3A_70 = arith.constant dense<0.000000e+00> : vector<256x512xf32>
    %dot_general3A_71 = tpu.matmul %get3A_1, %get3A_66, %dot_general3A_70 {dimension_numbers = #tpu.dot_dimension_numbers<[1], [1], [0], [0], [0, 0, 1, 0], [], []>, transpose_lhs_hint = false} : vector<256x32xf32>, vector<512x32xf32>, vector<256x512xf32> -> vector<256x512xf32>
    %mul3A_72 = arith.constant 2.000000e+00 : f32
    %mul3A_73 = vector.broadcast %mul3A_72 : f32 to vector<256x512xf32>
    %mul3A_74 = arith.mulf %mul3A_73, %dot_general3A_71 : vector<256x512xf32>
    %sub3A_75 = vector.broadcast %broadcast_in_dim3A : vector<256x1xf32> to vector<256x512xf32>
    %sub3A_76 = arith.subf %sub3A_75, %mul3A_74 : vector<256x512xf32>
    %broadcast_in_dim3A_77 = vector.shape_cast %reduce_sum3A_69 : vector<512xf32> to vector<1x512xf32>
    %add3A_78 = vector.broadcast %broadcast_in_dim3A_77 : vector<1x512xf32> to vector<256x512xf32>
    %add3A_79 = arith.addf %sub3A_76, %add3A_78 : vector<256x512xf32>
    %reduce_min3A_80 = arith.constant dense<0x7F800000> : vector<256xf32>
    %reduce_min3A_81 = vector.multi_reduction <minimumf>, %add3A_79, %reduce_min3A_80 [1] : vector<256x512xf32> to vector<256xf32>
    %iota3A_82 = tpu.iota {dimensions = array<i32: 1>} : vector<256x512xi32>
    %broadcast_in_dim3A_83 = vector.shape_cast %reduce_min3A_81 : vector<256xf32> to vector<256x1xf32>
    %eq3A_84 = vector.broadcast %broadcast_in_dim3A_83 : vector<256x1xf32> to vector<256x512xf32>
    %eq3A_85 = arith.cmpf oeq, %add3A_79, %eq3A_84 : vector<256x512xf32>
    %jit3A_86 = arith.constant 1073741824 : i32
    %broadcast_in_dim3A_87 = vector.broadcast %jit3A_86 : i32 to vector<256x512xi32>
    %select_n3A_88 = arith.select %eq3A_85, %iota3A_82, %broadcast_in_dim3A_87 : vector<256x512xi1>, vector<256x512xi32>
    %reduce_min3A_89 = arith.constant dense<2147483647> : vector<256xi32>
    %reduce_min3A_90 = vector.multi_reduction <minsi>, %select_n3A_88, %reduce_min3A_89 [1] : vector<256x512xi32> to vector<256xi32>
    %add3A_91 = arith.constant 1024 : i32
    %add3A_92 = vector.broadcast %add3A_91 : i32 to vector<256xi32>
    %add3A_93 = arith.addi %reduce_min3A_90, %add3A_92 : vector<256xi32>
    %lt3A_94 = arith.cmpf olt, %reduce_min3A_81, %select_n3A_62 : vector<256xf32>
    %select_n3A_95 = arith.select %lt3A_94, %reduce_min3A_81, %select_n3A_62 : vector<256xi1>, vector<256xf32>
    %select_n3A_96 = arith.select %lt3A_94, %add3A_93, %select_n3A_63 : vector<256xi1>, vector<256xi32>
    %get3A_97 = arith.constant 1536 : index
    %get3A_98 = arith.constant 0 : index
    %get3A_99 = vector.load %arg2[%get3A_97, %get3A_98] : memref<8192x32xf32, #tpu.memory_space<vmem>>, vector<512x32xf32>
    %mul3A_100 = arith.mulf %get3A_99, %get3A_99 : vector<512x32xf32>
    %reduce_sum3A_101 = arith.constant dense<0.000000e+00> : vector<512xf32>
    %reduce_sum3A_102 = vector.multi_reduction <add>, %mul3A_100, %reduce_sum3A_101 [1] : vector<512x32xf32> to vector<512xf32>
    %dot_general3A_103 = arith.constant dense<0.000000e+00> : vector<256x512xf32>
    %dot_general3A_104 = tpu.matmul %get3A_1, %get3A_99, %dot_general3A_103 {dimension_numbers = #tpu.dot_dimension_numbers<[1], [1], [0], [0], [0, 0, 1, 0], [], []>, transpose_lhs_hint = false} : vector<256x32xf32>, vector<512x32xf32>, vector<256x512xf32> -> vector<256x512xf32>
    %mul3A_105 = arith.constant 2.000000e+00 : f32
    %mul3A_106 = vector.broadcast %mul3A_105 : f32 to vector<256x512xf32>
    %mul3A_107 = arith.mulf %mul3A_106, %dot_general3A_104 : vector<256x512xf32>
    %sub3A_108 = vector.broadcast %broadcast_in_dim3A : vector<256x1xf32> to vector<256x512xf32>
    %sub3A_109 = arith.subf %sub3A_108, %mul3A_107 : vector<256x512xf32>
    %broadcast_in_dim3A_110 = vector.shape_cast %reduce_sum3A_102 : vector<512xf32> to vector<1x512xf32>
    %add3A_111 = vector.broadcast %broadcast_in_dim3A_110 : vector<1x512xf32> to vector<256x512xf32>
    %add3A_112 = arith.addf %sub3A_109, %add3A_111 : vector<256x512xf32>
    %reduce_min3A_113 = arith.constant dense<0x7F800000> : vector<256xf32>
    %reduce_min3A_114 = vector.multi_reduction <minimumf>, %add3A_112, %reduce_min3A_113 [1] : vector<256x512xf32> to vector<256xf32>
    %iota3A_115 = tpu.iota {dimensions = array<i32: 1>} : vector<256x512xi32>
    %broadcast_in_dim3A_116 = vector.shape_cast %reduce_min3A_114 : vector<256xf32> to vector<256x1xf32>
    %eq3A_117 = vector.broadcast %broadcast_in_dim3A_116 : vector<256x1xf32> to vector<256x512xf32>
    %eq3A_118 = arith.cmpf oeq, %add3A_112, %eq3A_117 : vector<256x512xf32>
    %jit3A_119 = arith.constant 1073741824 : i32
    %broadcast_in_dim3A_120 = vector.broadcast %jit3A_119 : i32 to vector<256x512xi32>
    %select_n3A_121 = arith.select %eq3A_118, %iota3A_115, %broadcast_in_dim3A_120 : vector<256x512xi1>, vector<256x512xi32>
    %reduce_min3A_122 = arith.constant dense<2147483647> : vector<256xi32>
    %reduce_min3A_123 = vector.multi_reduction <minsi>, %select_n3A_121, %reduce_min3A_122 [1] : vector<256x512xi32> to vector<256xi32>
    %add3A_124 = arith.constant 1536 : i32
    %add3A_125 = vector.broadcast %add3A_124 : i32 to vector<256xi32>
    %add3A_126 = arith.addi %reduce_min3A_123, %add3A_125 : vector<256xi32>
    %lt3A_127 = arith.cmpf olt, %reduce_min3A_114, %select_n3A_95 : vector<256xf32>
    %select_n3A_128 = arith.select %lt3A_127, %reduce_min3A_114, %select_n3A_95 : vector<256xi1>, vector<256xf32>
    %select_n3A_129 = arith.select %lt3A_127, %add3A_126, %select_n3A_96 : vector<256xi1>, vector<256xi32>
    %get3A_130 = arith.constant 2048 : index
    %get3A_131 = arith.constant 0 : index
    %get3A_132 = vector.load %arg2[%get3A_130, %get3A_131] : memref<8192x32xf32, #tpu.memory_space<vmem>>, vector<512x32xf32>
    %mul3A_133 = arith.mulf %get3A_132, %get3A_132 : vector<512x32xf32>
    %reduce_sum3A_134 = arith.constant dense<0.000000e+00> : vector<512xf32>
    %reduce_sum3A_135 = vector.multi_reduction <add>, %mul3A_133, %reduce_sum3A_134 [1] : vector<512x32xf32> to vector<512xf32>
    %dot_general3A_136 = arith.constant dense<0.000000e+00> : vector<256x512xf32>
    %dot_general3A_137 = tpu.matmul %get3A_1, %get3A_132, %dot_general3A_136 {dimension_numbers = #tpu.dot_dimension_numbers<[1], [1], [0], [0], [0, 0, 1, 0], [], []>, transpose_lhs_hint = false} : vector<256x32xf32>, vector<512x32xf32>, vector<256x512xf32> -> vector<256x512xf32>
    %mul3A_138 = arith.constant 2.000000e+00 : f32
    %mul3A_139 = vector.broadcast %mul3A_138 : f32 to vector<256x512xf32>
    %mul3A_140 = arith.mulf %mul3A_139, %dot_general3A_137 : vector<256x512xf32>
    %sub3A_141 = vector.broadcast %broadcast_in_dim3A : vector<256x1xf32> to vector<256x512xf32>
    %sub3A_142 = arith.subf %sub3A_141, %mul3A_140 : vector<256x512xf32>
    %broadcast_in_dim3A_143 = vector.shape_cast %reduce_sum3A_135 : vector<512xf32> to vector<1x512xf32>
    %add3A_144 = vector.broadcast %broadcast_in_dim3A_143 : vector<1x512xf32> to vector<256x512xf32>
    %add3A_145 = arith.addf %sub3A_142, %add3A_144 : vector<256x512xf32>
    %reduce_min3A_146 = arith.constant dense<0x7F800000> : vector<256xf32>
    %reduce_min3A_147 = vector.multi_reduction <minimumf>, %add3A_145, %reduce_min3A_146 [1] : vector<256x512xf32> to vector<256xf32>
    %iota3A_148 = tpu.iota {dimensions = array<i32: 1>} : vector<256x512xi32>
    %broadcast_in_dim3A_149 = vector.shape_cast %reduce_min3A_147 : vector<256xf32> to vector<256x1xf32>
    %eq3A_150 = vector.broadcast %broadcast_in_dim3A_149 : vector<256x1xf32> to vector<256x512xf32>
    %eq3A_151 = arith.cmpf oeq, %add3A_145, %eq3A_150 : vector<256x512xf32>
    %jit3A_152 = arith.constant 1073741824 : i32
    %broadcast_in_dim3A_153 = vector.broadcast %jit3A_152 : i32 to vector<256x512xi32>
    %select_n3A_154 = arith.select %eq3A_151, %iota3A_148, %broadcast_in_dim3A_153 : vector<256x512xi1>, vector<256x512xi32>
    %reduce_min3A_155 = arith.constant dense<2147483647> : vector<256xi32>
    %reduce_min3A_156 = vector.multi_reduction <minsi>, %select_n3A_154, %reduce_min3A_155 [1] : vector<256x512xi32> to vector<256xi32>
    %add3A_157 = arith.constant 2048 : i32
    %add3A_158 = vector.broadcast %add3A_157 : i32 to vector<256xi32>
    %add3A_159 = arith.addi %reduce_min3A_156, %add3A_158 : vector<256xi32>
    %lt3A_160 = arith.cmpf olt, %reduce_min3A_147, %select_n3A_128 : vector<256xf32>
    %select_n3A_161 = arith.select %lt3A_160, %reduce_min3A_147, %select_n3A_128 : vector<256xi1>, vector<256xf32>
    %select_n3A_162 = arith.select %lt3A_160, %add3A_159, %select_n3A_129 : vector<256xi1>, vector<256xi32>
    %get3A_163 = arith.constant 2560 : index
    %get3A_164 = arith.constant 0 : index
    %get3A_165 = vector.load %arg2[%get3A_163, %get3A_164] : memref<8192x32xf32, #tpu.memory_space<vmem>>, vector<512x32xf32>
    %mul3A_166 = arith.mulf %get3A_165, %get3A_165 : vector<512x32xf32>
    %reduce_sum3A_167 = arith.constant dense<0.000000e+00> : vector<512xf32>
    %reduce_sum3A_168 = vector.multi_reduction <add>, %mul3A_166, %reduce_sum3A_167 [1] : vector<512x32xf32> to vector<512xf32>
    %dot_general3A_169 = arith.constant dense<0.000000e+00> : vector<256x512xf32>
    %dot_general3A_170 = tpu.matmul %get3A_1, %get3A_165, %dot_general3A_169 {dimension_numbers = #tpu.dot_dimension_numbers<[1], [1], [0], [0], [0, 0, 1, 0], [], []>, transpose_lhs_hint = false} : vector<256x32xf32>, vector<512x32xf32>, vector<256x512xf32> -> vector<256x512xf32>
    %mul3A_171 = arith.constant 2.000000e+00 : f32
    %mul3A_172 = vector.broadcast %mul3A_171 : f32 to vector<256x512xf32>
    %mul3A_173 = arith.mulf %mul3A_172, %dot_general3A_170 : vector<256x512xf32>
    %sub3A_174 = vector.broadcast %broadcast_in_dim3A : vector<256x1xf32> to vector<256x512xf32>
    %sub3A_175 = arith.subf %sub3A_174, %mul3A_173 : vector<256x512xf32>
    %broadcast_in_dim3A_176 = vector.shape_cast %reduce_sum3A_168 : vector<512xf32> to vector<1x512xf32>
    %add3A_177 = vector.broadcast %broadcast_in_dim3A_176 : vector<1x512xf32> to vector<256x512xf32>
    %add3A_178 = arith.addf %sub3A_175, %add3A_177 : vector<256x512xf32>
    %reduce_min3A_179 = arith.constant dense<0x7F800000> : vector<256xf32>
    %reduce_min3A_180 = vector.multi_reduction <minimumf>, %add3A_178, %reduce_min3A_179 [1] : vector<256x512xf32> to vector<256xf32>
    %iota3A_181 = tpu.iota {dimensions = array<i32: 1>} : vector<256x512xi32>
    %broadcast_in_dim3A_182 = vector.shape_cast %reduce_min3A_180 : vector<256xf32> to vector<256x1xf32>
    %eq3A_183 = vector.broadcast %broadcast_in_dim3A_182 : vector<256x1xf32> to vector<256x512xf32>
    %eq3A_184 = arith.cmpf oeq, %add3A_178, %eq3A_183 : vector<256x512xf32>
    %jit3A_185 = arith.constant 1073741824 : i32
    %broadcast_in_dim3A_186 = vector.broadcast %jit3A_185 : i32 to vector<256x512xi32>
    %select_n3A_187 = arith.select %eq3A_184, %iota3A_181, %broadcast_in_dim3A_186 : vector<256x512xi1>, vector<256x512xi32>
    %reduce_min3A_188 = arith.constant dense<2147483647> : vector<256xi32>
    %reduce_min3A_189 = vector.multi_reduction <minsi>, %select_n3A_187, %reduce_min3A_188 [1] : vector<256x512xi32> to vector<256xi32>
    %add3A_190 = arith.constant 2560 : i32
    %add3A_191 = vector.broadcast %add3A_190 : i32 to vector<256xi32>
    %add3A_192 = arith.addi %reduce_min3A_189, %add3A_191 : vector<256xi32>
    %lt3A_193 = arith.cmpf olt, %reduce_min3A_180, %select_n3A_161 : vector<256xf32>
    %select_n3A_194 = arith.select %lt3A_193, %reduce_min3A_180, %select_n3A_161 : vector<256xi1>, vector<256xf32>
    %select_n3A_195 = arith.select %lt3A_193, %add3A_192, %select_n3A_162 : vector<256xi1>, vector<256xi32>
    %get3A_196 = arith.constant 3072 : index
    %get3A_197 = arith.constant 0 : index
    %get3A_198 = vector.load %arg2[%get3A_196, %get3A_197] : memref<8192x32xf32, #tpu.memory_space<vmem>>, vector<512x32xf32>
    %mul3A_199 = arith.mulf %get3A_198, %get3A_198 : vector<512x32xf32>
    %reduce_sum3A_200 = arith.constant dense<0.000000e+00> : vector<512xf32>
    %reduce_sum3A_201 = vector.multi_reduction <add>, %mul3A_199, %reduce_sum3A_200 [1] : vector<512x32xf32> to vector<512xf32>
    %dot_general3A_202 = arith.constant dense<0.000000e+00> : vector<256x512xf32>
    %dot_general3A_203 = tpu.matmul %get3A_1, %get3A_198, %dot_general3A_202 {dimension_numbers = #tpu.dot_dimension_numbers<[1], [1], [0], [0], [0, 0, 1, 0], [], []>, transpose_lhs_hint = false} : vector<256x32xf32>, vector<512x32xf32>, vector<256x512xf32> -> vector<256x512xf32>
    %mul3A_204 = arith.constant 2.000000e+00 : f32
    %mul3A_205 = vector.broadcast %mul3A_204 : f32 to vector<256x512xf32>
    %mul3A_206 = arith.mulf %mul3A_205, %dot_general3A_203 : vector<256x512xf32>
    %sub3A_207 = vector.broadcast %broadcast_in_dim3A : vector<256x1xf32> to vector<256x512xf32>
    %sub3A_208 = arith.subf %sub3A_207, %mul3A_206 : vector<256x512xf32>
    %broadcast_in_dim3A_209 = vector.shape_cast %reduce_sum3A_201 : vector<512xf32> to vector<1x512xf32>
    %add3A_210 = vector.broadcast %broadcast_in_dim3A_209 : vector<1x512xf32> to vector<256x512xf32>
    %add3A_211 = arith.addf %sub3A_208, %add3A_210 : vector<256x512xf32>
    %reduce_min3A_212 = arith.constant dense<0x7F800000> : vector<256xf32>
    %reduce_min3A_213 = vector.multi_reduction <minimumf>, %add3A_211, %reduce_min3A_212 [1] : vector<256x512xf32> to vector<256xf32>
    %iota3A_214 = tpu.iota {dimensions = array<i32: 1>} : vector<256x512xi32>
    %broadcast_in_dim3A_215 = vector.shape_cast %reduce_min3A_213 : vector<256xf32> to vector<256x1xf32>
    %eq3A_216 = vector.broadcast %broadcast_in_dim3A_215 : vector<256x1xf32> to vector<256x512xf32>
    %eq3A_217 = arith.cmpf oeq, %add3A_211, %eq3A_216 : vector<256x512xf32>
    %jit3A_218 = arith.constant 1073741824 : i32
    %broadcast_in_dim3A_219 = vector.broadcast %jit3A_218 : i32 to vector<256x512xi32>
    %select_n3A_220 = arith.select %eq3A_217, %iota3A_214, %broadcast_in_dim3A_219 : vector<256x512xi1>, vector<256x512xi32>
    %reduce_min3A_221 = arith.constant dense<2147483647> : vector<256xi32>
    %reduce_min3A_222 = vector.multi_reduction <minsi>, %select_n3A_220, %reduce_min3A_221 [1] : vector<256x512xi32> to vector<256xi32>
    %add3A_223 = arith.constant 3072 : i32
    %add3A_224 = vector.broadcast %add3A_223 : i32 to vector<256xi32>
    %add3A_225 = arith.addi %reduce_min3A_222, %add3A_224 : vector<256xi32>
    %lt3A_226 = arith.cmpf olt, %reduce_min3A_213, %select_n3A_194 : vector<256xf32>
    %select_n3A_227 = arith.select %lt3A_226, %reduce_min3A_213, %select_n3A_194 : vector<256xi1>, vector<256xf32>
    %select_n3A_228 = arith.select %lt3A_226, %add3A_225, %select_n3A_195 : vector<256xi1>, vector<256xi32>
    %get3A_229 = arith.constant 3584 : index
    %get3A_230 = arith.constant 0 : index
    %get3A_231 = vector.load %arg2[%get3A_229, %get3A_230] : memref<8192x32xf32, #tpu.memory_space<vmem>>, vector<512x32xf32>
    %mul3A_232 = arith.mulf %get3A_231, %get3A_231 : vector<512x32xf32>
    %reduce_sum3A_233 = arith.constant dense<0.000000e+00> : vector<512xf32>
    %reduce_sum3A_234 = vector.multi_reduction <add>, %mul3A_232, %reduce_sum3A_233 [1] : vector<512x32xf32> to vector<512xf32>
    %dot_general3A_235 = arith.constant dense<0.000000e+00> : vector<256x512xf32>
    %dot_general3A_236 = tpu.matmul %get3A_1, %get3A_231, %dot_general3A_235 {dimension_numbers = #tpu.dot_dimension_numbers<[1], [1], [0], [0], [0, 0, 1, 0], [], []>, transpose_lhs_hint = false} : vector<256x32xf32>, vector<512x32xf32>, vector<256x512xf32> -> vector<256x512xf32>
    %mul3A_237 = arith.constant 2.000000e+00 : f32
    %mul3A_238 = vector.broadcast %mul3A_237 : f32 to vector<256x512xf32>
    %mul3A_239 = arith.mulf %mul3A_238, %dot_general3A_236 : vector<256x512xf32>
    %sub3A_240 = vector.broadcast %broadcast_in_dim3A : vector<256x1xf32> to vector<256x512xf32>
    %sub3A_241 = arith.subf %sub3A_240, %mul3A_239 : vector<256x512xf32>
    %broadcast_in_dim3A_242 = vector.shape_cast %reduce_sum3A_234 : vector<512xf32> to vector<1x512xf32>
    %add3A_243 = vector.broadcast %broadcast_in_dim3A_242 : vector<1x512xf32> to vector<256x512xf32>
    %add3A_244 = arith.addf %sub3A_241, %add3A_243 : vector<256x512xf32>
    %reduce_min3A_245 = arith.constant dense<0x7F800000> : vector<256xf32>
    %reduce_min3A_246 = vector.multi_reduction <minimumf>, %add3A_244, %reduce_min3A_245 [1] : vector<256x512xf32> to vector<256xf32>
    %iota3A_247 = tpu.iota {dimensions = array<i32: 1>} : vector<256x512xi32>
    %broadcast_in_dim3A_248 = vector.shape_cast %reduce_min3A_246 : vector<256xf32> to vector<256x1xf32>
    %eq3A_249 = vector.broadcast %broadcast_in_dim3A_248 : vector<256x1xf32> to vector<256x512xf32>
    %eq3A_250 = arith.cmpf oeq, %add3A_244, %eq3A_249 : vector<256x512xf32>
    %jit3A_251 = arith.constant 1073741824 : i32
    %broadcast_in_dim3A_252 = vector.broadcast %jit3A_251 : i32 to vector<256x512xi32>
    %select_n3A_253 = arith.select %eq3A_250, %iota3A_247, %broadcast_in_dim3A_252 : vector<256x512xi1>, vector<256x512xi32>
    %reduce_min3A_254 = arith.constant dense<2147483647> : vector<256xi32>
    %reduce_min3A_255 = vector.multi_reduction <minsi>, %select_n3A_253, %reduce_min3A_254 [1] : vector<256x512xi32> to vector<256xi32>
    %add3A_256 = arith.constant 3584 : i32
    %add3A_257 = vector.broadcast %add3A_256 : i32 to vector<256xi32>
    %add3A_258 = arith.addi %reduce_min3A_255, %add3A_257 : vector<256xi32>
    %lt3A_259 = arith.cmpf olt, %reduce_min3A_246, %select_n3A_227 : vector<256xf32>
    %select_n3A_260 = arith.select %lt3A_259, %reduce_min3A_246, %select_n3A_227 : vector<256xi1>, vector<256xf32>
    %select_n3A_261 = arith.select %lt3A_259, %add3A_258, %select_n3A_228 : vector<256xi1>, vector<256xi32>
    %get3A_262 = arith.constant 4096 : index
    %get3A_263 = arith.constant 0 : index
    %get3A_264 = vector.load %arg2[%get3A_262, %get3A_263] : memref<8192x32xf32, #tpu.memory_space<vmem>>, vector<512x32xf32>
    %mul3A_265 = arith.mulf %get3A_264, %get3A_264 : vector<512x32xf32>
    %reduce_sum3A_266 = arith.constant dense<0.000000e+00> : vector<512xf32>
    %reduce_sum3A_267 = vector.multi_reduction <add>, %mul3A_265, %reduce_sum3A_266 [1] : vector<512x32xf32> to vector<512xf32>
    %dot_general3A_268 = arith.constant dense<0.000000e+00> : vector<256x512xf32>
    %dot_general3A_269 = tpu.matmul %get3A_1, %get3A_264, %dot_general3A_268 {dimension_numbers = #tpu.dot_dimension_numbers<[1], [1], [0], [0], [0, 0, 1, 0], [], []>, transpose_lhs_hint = false} : vector<256x32xf32>, vector<512x32xf32>, vector<256x512xf32> -> vector<256x512xf32>
    %mul3A_270 = arith.constant 2.000000e+00 : f32
    %mul3A_271 = vector.broadcast %mul3A_270 : f32 to vector<256x512xf32>
    %mul3A_272 = arith.mulf %mul3A_271, %dot_general3A_269 : vector<256x512xf32>
    %sub3A_273 = vector.broadcast %broadcast_in_dim3A : vector<256x1xf32> to vector<256x512xf32>
    %sub3A_274 = arith.subf %sub3A_273, %mul3A_272 : vector<256x512xf32>
    %broadcast_in_dim3A_275 = vector.shape_cast %reduce_sum3A_267 : vector<512xf32> to vector<1x512xf32>
    %add3A_276 = vector.broadcast %broadcast_in_dim3A_275 : vector<1x512xf32> to vector<256x512xf32>
    %add3A_277 = arith.addf %sub3A_274, %add3A_276 : vector<256x512xf32>
    %reduce_min3A_278 = arith.constant dense<0x7F800000> : vector<256xf32>
    %reduce_min3A_279 = vector.multi_reduction <minimumf>, %add3A_277, %reduce_min3A_278 [1] : vector<256x512xf32> to vector<256xf32>
    %iota3A_280 = tpu.iota {dimensions = array<i32: 1>} : vector<256x512xi32>
    %broadcast_in_dim3A_281 = vector.shape_cast %reduce_min3A_279 : vector<256xf32> to vector<256x1xf32>
    %eq3A_282 = vector.broadcast %broadcast_in_dim3A_281 : vector<256x1xf32> to vector<256x512xf32>
    %eq3A_283 = arith.cmpf oeq, %add3A_277, %eq3A_282 : vector<256x512xf32>
    %jit3A_284 = arith.constant 1073741824 : i32
    %broadcast_in_dim3A_285 = vector.broadcast %jit3A_284 : i32 to vector<256x512xi32>
    %select_n3A_286 = arith.select %eq3A_283, %iota3A_280, %broadcast_in_dim3A_285 : vector<256x512xi1>, vector<256x512xi32>
    %reduce_min3A_287 = arith.constant dense<2147483647> : vector<256xi32>
    %reduce_min3A_288 = vector.multi_reduction <minsi>, %select_n3A_286, %reduce_min3A_287 [1] : vector<256x512xi32> to vector<256xi32>
    %add3A_289 = arith.constant 4096 : i32
    %add3A_290 = vector.broadcast %add3A_289 : i32 to vector<256xi32>
    %add3A_291 = arith.addi %reduce_min3A_288, %add3A_290 : vector<256xi32>
    %lt3A_292 = arith.cmpf olt, %reduce_min3A_279, %select_n3A_260 : vector<256xf32>
    %select_n3A_293 = arith.select %lt3A_292, %reduce_min3A_279, %select_n3A_260 : vector<256xi1>, vector<256xf32>
    %select_n3A_294 = arith.select %lt3A_292, %add3A_291, %select_n3A_261 : vector<256xi1>, vector<256xi32>
    %get3A_295 = arith.constant 4608 : index
    %get3A_296 = arith.constant 0 : index
    %get3A_297 = vector.load %arg2[%get3A_295, %get3A_296] : memref<8192x32xf32, #tpu.memory_space<vmem>>, vector<512x32xf32>
    %mul3A_298 = arith.mulf %get3A_297, %get3A_297 : vector<512x32xf32>
    %reduce_sum3A_299 = arith.constant dense<0.000000e+00> : vector<512xf32>
    %reduce_sum3A_300 = vector.multi_reduction <add>, %mul3A_298, %reduce_sum3A_299 [1] : vector<512x32xf32> to vector<512xf32>
    %dot_general3A_301 = arith.constant dense<0.000000e+00> : vector<256x512xf32>
    %dot_general3A_302 = tpu.matmul %get3A_1, %get3A_297, %dot_general3A_301 {dimension_numbers = #tpu.dot_dimension_numbers<[1], [1], [0], [0], [0, 0, 1, 0], [], []>, transpose_lhs_hint = false} : vector<256x32xf32>, vector<512x32xf32>, vector<256x512xf32> -> vector<256x512xf32>
    %mul3A_303 = arith.constant 2.000000e+00 : f32
    %mul3A_304 = vector.broadcast %mul3A_303 : f32 to vector<256x512xf32>
    %mul3A_305 = arith.mulf %mul3A_304, %dot_general3A_302 : vector<256x512xf32>
    %sub3A_306 = vector.broadcast %broadcast_in_dim3A : vector<256x1xf32> to vector<256x512xf32>
    %sub3A_307 = arith.subf %sub3A_306, %mul3A_305 : vector<256x512xf32>
    %broadcast_in_dim3A_308 = vector.shape_cast %reduce_sum3A_300 : vector<512xf32> to vector<1x512xf32>
    %add3A_309 = vector.broadcast %broadcast_in_dim3A_308 : vector<1x512xf32> to vector<256x512xf32>
    %add3A_310 = arith.addf %sub3A_307, %add3A_309 : vector<256x512xf32>
    %reduce_min3A_311 = arith.constant dense<0x7F800000> : vector<256xf32>
    %reduce_min3A_312 = vector.multi_reduction <minimumf>, %add3A_310, %reduce_min3A_311 [1] : vector<256x512xf32> to vector<256xf32>
    %iota3A_313 = tpu.iota {dimensions = array<i32: 1>} : vector<256x512xi32>
    %broadcast_in_dim3A_314 = vector.shape_cast %reduce_min3A_312 : vector<256xf32> to vector<256x1xf32>
    %eq3A_315 = vector.broadcast %broadcast_in_dim3A_314 : vector<256x1xf32> to vector<256x512xf32>
    %eq3A_316 = arith.cmpf oeq, %add3A_310, %eq3A_315 : vector<256x512xf32>
    %jit3A_317 = arith.constant 1073741824 : i32
    %broadcast_in_dim3A_318 = vector.broadcast %jit3A_317 : i32 to vector<256x512xi32>
    %select_n3A_319 = arith.select %eq3A_316, %iota3A_313, %broadcast_in_dim3A_318 : vector<256x512xi1>, vector<256x512xi32>
    %reduce_min3A_320 = arith.constant dense<2147483647> : vector<256xi32>
    %reduce_min3A_321 = vector.multi_reduction <minsi>, %select_n3A_319, %reduce_min3A_320 [1] : vector<256x512xi32> to vector<256xi32>
    %add3A_322 = arith.constant 4608 : i32
    %add3A_323 = vector.broadcast %add3A_322 : i32 to vector<256xi32>
    %add3A_324 = arith.addi %reduce_min3A_321, %add3A_323 : vector<256xi32>
    %lt3A_325 = arith.cmpf olt, %reduce_min3A_312, %select_n3A_293 : vector<256xf32>
    %select_n3A_326 = arith.select %lt3A_325, %reduce_min3A_312, %select_n3A_293 : vector<256xi1>, vector<256xf32>
    %select_n3A_327 = arith.select %lt3A_325, %add3A_324, %select_n3A_294 : vector<256xi1>, vector<256xi32>
    %get3A_328 = arith.constant 5120 : index
    %get3A_329 = arith.constant 0 : index
    %get3A_330 = vector.load %arg2[%get3A_328, %get3A_329] : memref<8192x32xf32, #tpu.memory_space<vmem>>, vector<512x32xf32>
    %mul3A_331 = arith.mulf %get3A_330, %get3A_330 : vector<512x32xf32>
    %reduce_sum3A_332 = arith.constant dense<0.000000e+00> : vector<512xf32>
    %reduce_sum3A_333 = vector.multi_reduction <add>, %mul3A_331, %reduce_sum3A_332 [1] : vector<512x32xf32> to vector<512xf32>
    %dot_general3A_334 = arith.constant dense<0.000000e+00> : vector<256x512xf32>
    %dot_general3A_335 = tpu.matmul %get3A_1, %get3A_330, %dot_general3A_334 {dimension_numbers = #tpu.dot_dimension_numbers<[1], [1], [0], [0], [0, 0, 1, 0], [], []>, transpose_lhs_hint = false} : vector<256x32xf32>, vector<512x32xf32>, vector<256x512xf32> -> vector<256x512xf32>
    %mul3A_336 = arith.constant 2.000000e+00 : f32
    %mul3A_337 = vector.broadcast %mul3A_336 : f32 to vector<256x512xf32>
    %mul3A_338 = arith.mulf %mul3A_337, %dot_general3A_335 : vector<256x512xf32>
    %sub3A_339 = vector.broadcast %broadcast_in_dim3A : vector<256x1xf32> to vector<256x512xf32>
    %sub3A_340 = arith.subf %sub3A_339, %mul3A_338 : vector<256x512xf32>
    %broadcast_in_dim3A_341 = vector.shape_cast %reduce_sum3A_333 : vector<512xf32> to vector<1x512xf32>
    %add3A_342 = vector.broadcast %broadcast_in_dim3A_341 : vector<1x512xf32> to vector<256x512xf32>
    %add3A_343 = arith.addf %sub3A_340, %add3A_342 : vector<256x512xf32>
    %reduce_min3A_344 = arith.constant dense<0x7F800000> : vector<256xf32>
    %reduce_min3A_345 = vector.multi_reduction <minimumf>, %add3A_343, %reduce_min3A_344 [1] : vector<256x512xf32> to vector<256xf32>
    %iota3A_346 = tpu.iota {dimensions = array<i32: 1>} : vector<256x512xi32>
    %broadcast_in_dim3A_347 = vector.shape_cast %reduce_min3A_345 : vector<256xf32> to vector<256x1xf32>
    %eq3A_348 = vector.broadcast %broadcast_in_dim3A_347 : vector<256x1xf32> to vector<256x512xf32>
    %eq3A_349 = arith.cmpf oeq, %add3A_343, %eq3A_348 : vector<256x512xf32>
    %jit3A_350 = arith.constant 1073741824 : i32
    %broadcast_in_dim3A_351 = vector.broadcast %jit3A_350 : i32 to vector<256x512xi32>
    %select_n3A_352 = arith.select %eq3A_349, %iota3A_346, %broadcast_in_dim3A_351 : vector<256x512xi1>, vector<256x512xi32>
    %reduce_min3A_353 = arith.constant dense<2147483647> : vector<256xi32>
    %reduce_min3A_354 = vector.multi_reduction <minsi>, %select_n3A_352, %reduce_min3A_353 [1] : vector<256x512xi32> to vector<256xi32>
    %add3A_355 = arith.constant 5120 : i32
    %add3A_356 = vector.broadcast %add3A_355 : i32 to vector<256xi32>
    %add3A_357 = arith.addi %reduce_min3A_354, %add3A_356 : vector<256xi32>
    %lt3A_358 = arith.cmpf olt, %reduce_min3A_345, %select_n3A_326 : vector<256xf32>
    %select_n3A_359 = arith.select %lt3A_358, %reduce_min3A_345, %select_n3A_326 : vector<256xi1>, vector<256xf32>
    %select_n3A_360 = arith.select %lt3A_358, %add3A_357, %select_n3A_327 : vector<256xi1>, vector<256xi32>
    %get3A_361 = arith.constant 5632 : index
    %get3A_362 = arith.constant 0 : index
    %get3A_363 = vector.load %arg2[%get3A_361, %get3A_362] : memref<8192x32xf32, #tpu.memory_space<vmem>>, vector<512x32xf32>
    %mul3A_364 = arith.mulf %get3A_363, %get3A_363 : vector<512x32xf32>
    %reduce_sum3A_365 = arith.constant dense<0.000000e+00> : vector<512xf32>
    %reduce_sum3A_366 = vector.multi_reduction <add>, %mul3A_364, %reduce_sum3A_365 [1] : vector<512x32xf32> to vector<512xf32>
    %dot_general3A_367 = arith.constant dense<0.000000e+00> : vector<256x512xf32>
    %dot_general3A_368 = tpu.matmul %get3A_1, %get3A_363, %dot_general3A_367 {dimension_numbers = #tpu.dot_dimension_numbers<[1], [1], [0], [0], [0, 0, 1, 0], [], []>, transpose_lhs_hint = false} : vector<256x32xf32>, vector<512x32xf32>, vector<256x512xf32> -> vector<256x512xf32>
    %mul3A_369 = arith.constant 2.000000e+00 : f32
    %mul3A_370 = vector.broadcast %mul3A_369 : f32 to vector<256x512xf32>
    %mul3A_371 = arith.mulf %mul3A_370, %dot_general3A_368 : vector<256x512xf32>
    %sub3A_372 = vector.broadcast %broadcast_in_dim3A : vector<256x1xf32> to vector<256x512xf32>
    %sub3A_373 = arith.subf %sub3A_372, %mul3A_371 : vector<256x512xf32>
    %broadcast_in_dim3A_374 = vector.shape_cast %reduce_sum3A_366 : vector<512xf32> to vector<1x512xf32>
    %add3A_375 = vector.broadcast %broadcast_in_dim3A_374 : vector<1x512xf32> to vector<256x512xf32>
    %add3A_376 = arith.addf %sub3A_373, %add3A_375 : vector<256x512xf32>
    %reduce_min3A_377 = arith.constant dense<0x7F800000> : vector<256xf32>
    %reduce_min3A_378 = vector.multi_reduction <minimumf>, %add3A_376, %reduce_min3A_377 [1] : vector<256x512xf32> to vector<256xf32>
    %iota3A_379 = tpu.iota {dimensions = array<i32: 1>} : vector<256x512xi32>
    %broadcast_in_dim3A_380 = vector.shape_cast %reduce_min3A_378 : vector<256xf32> to vector<256x1xf32>
    %eq3A_381 = vector.broadcast %broadcast_in_dim3A_380 : vector<256x1xf32> to vector<256x512xf32>
    %eq3A_382 = arith.cmpf oeq, %add3A_376, %eq3A_381 : vector<256x512xf32>
    %jit3A_383 = arith.constant 1073741824 : i32
    %broadcast_in_dim3A_384 = vector.broadcast %jit3A_383 : i32 to vector<256x512xi32>
    %select_n3A_385 = arith.select %eq3A_382, %iota3A_379, %broadcast_in_dim3A_384 : vector<256x512xi1>, vector<256x512xi32>
    %reduce_min3A_386 = arith.constant dense<2147483647> : vector<256xi32>
    %reduce_min3A_387 = vector.multi_reduction <minsi>, %select_n3A_385, %reduce_min3A_386 [1] : vector<256x512xi32> to vector<256xi32>
    %add3A_388 = arith.constant 5632 : i32
    %add3A_389 = vector.broadcast %add3A_388 : i32 to vector<256xi32>
    %add3A_390 = arith.addi %reduce_min3A_387, %add3A_389 : vector<256xi32>
    %lt3A_391 = arith.cmpf olt, %reduce_min3A_378, %select_n3A_359 : vector<256xf32>
    %select_n3A_392 = arith.select %lt3A_391, %reduce_min3A_378, %select_n3A_359 : vector<256xi1>, vector<256xf32>
    %select_n3A_393 = arith.select %lt3A_391, %add3A_390, %select_n3A_360 : vector<256xi1>, vector<256xi32>
    %get3A_394 = arith.constant 6144 : index
    %get3A_395 = arith.constant 0 : index
    %get3A_396 = vector.load %arg2[%get3A_394, %get3A_395] : memref<8192x32xf32, #tpu.memory_space<vmem>>, vector<512x32xf32>
    %mul3A_397 = arith.mulf %get3A_396, %get3A_396 : vector<512x32xf32>
    %reduce_sum3A_398 = arith.constant dense<0.000000e+00> : vector<512xf32>
    %reduce_sum3A_399 = vector.multi_reduction <add>, %mul3A_397, %reduce_sum3A_398 [1] : vector<512x32xf32> to vector<512xf32>
    %dot_general3A_400 = arith.constant dense<0.000000e+00> : vector<256x512xf32>
    %dot_general3A_401 = tpu.matmul %get3A_1, %get3A_396, %dot_general3A_400 {dimension_numbers = #tpu.dot_dimension_numbers<[1], [1], [0], [0], [0, 0, 1, 0], [], []>, transpose_lhs_hint = false} : vector<256x32xf32>, vector<512x32xf32>, vector<256x512xf32> -> vector<256x512xf32>
    %mul3A_402 = arith.constant 2.000000e+00 : f32
    %mul3A_403 = vector.broadcast %mul3A_402 : f32 to vector<256x512xf32>
    %mul3A_404 = arith.mulf %mul3A_403, %dot_general3A_401 : vector<256x512xf32>
    %sub3A_405 = vector.broadcast %broadcast_in_dim3A : vector<256x1xf32> to vector<256x512xf32>
    %sub3A_406 = arith.subf %sub3A_405, %mul3A_404 : vector<256x512xf32>
    %broadcast_in_dim3A_407 = vector.shape_cast %reduce_sum3A_399 : vector<512xf32> to vector<1x512xf32>
    %add3A_408 = vector.broadcast %broadcast_in_dim3A_407 : vector<1x512xf32> to vector<256x512xf32>
    %add3A_409 = arith.addf %sub3A_406, %add3A_408 : vector<256x512xf32>
    %reduce_min3A_410 = arith.constant dense<0x7F800000> : vector<256xf32>
    %reduce_min3A_411 = vector.multi_reduction <minimumf>, %add3A_409, %reduce_min3A_410 [1] : vector<256x512xf32> to vector<256xf32>
    %iota3A_412 = tpu.iota {dimensions = array<i32: 1>} : vector<256x512xi32>
    %broadcast_in_dim3A_413 = vector.shape_cast %reduce_min3A_411 : vector<256xf32> to vector<256x1xf32>
    %eq3A_414 = vector.broadcast %broadcast_in_dim3A_413 : vector<256x1xf32> to vector<256x512xf32>
    %eq3A_415 = arith.cmpf oeq, %add3A_409, %eq3A_414 : vector<256x512xf32>
    %jit3A_416 = arith.constant 1073741824 : i32
    %broadcast_in_dim3A_417 = vector.broadcast %jit3A_416 : i32 to vector<256x512xi32>
    %select_n3A_418 = arith.select %eq3A_415, %iota3A_412, %broadcast_in_dim3A_417 : vector<256x512xi1>, vector<256x512xi32>
    %reduce_min3A_419 = arith.constant dense<2147483647> : vector<256xi32>
    %reduce_min3A_420 = vector.multi_reduction <minsi>, %select_n3A_418, %reduce_min3A_419 [1] : vector<256x512xi32> to vector<256xi32>
    %add3A_421 = arith.constant 6144 : i32
    %add3A_422 = vector.broadcast %add3A_421 : i32 to vector<256xi32>
    %add3A_423 = arith.addi %reduce_min3A_420, %add3A_422 : vector<256xi32>
    %lt3A_424 = arith.cmpf olt, %reduce_min3A_411, %select_n3A_392 : vector<256xf32>
    %select_n3A_425 = arith.select %lt3A_424, %reduce_min3A_411, %select_n3A_392 : vector<256xi1>, vector<256xf32>
    %select_n3A_426 = arith.select %lt3A_424, %add3A_423, %select_n3A_393 : vector<256xi1>, vector<256xi32>
    %get3A_427 = arith.constant 6656 : index
    %get3A_428 = arith.constant 0 : index
    %get3A_429 = vector.load %arg2[%get3A_427, %get3A_428] : memref<8192x32xf32, #tpu.memory_space<vmem>>, vector<512x32xf32>
    %mul3A_430 = arith.mulf %get3A_429, %get3A_429 : vector<512x32xf32>
    %reduce_sum3A_431 = arith.constant dense<0.000000e+00> : vector<512xf32>
    %reduce_sum3A_432 = vector.multi_reduction <add>, %mul3A_430, %reduce_sum3A_431 [1] : vector<512x32xf32> to vector<512xf32>
    %dot_general3A_433 = arith.constant dense<0.000000e+00> : vector<256x512xf32>
    %dot_general3A_434 = tpu.matmul %get3A_1, %get3A_429, %dot_general3A_433 {dimension_numbers = #tpu.dot_dimension_numbers<[1], [1], [0], [0], [0, 0, 1, 0], [], []>, transpose_lhs_hint = false} : vector<256x32xf32>, vector<512x32xf32>, vector<256x512xf32> -> vector<256x512xf32>
    %mul3A_435 = arith.constant 2.000000e+00 : f32
    %mul3A_436 = vector.broadcast %mul3A_435 : f32 to vector<256x512xf32>
    %mul3A_437 = arith.mulf %mul3A_436, %dot_general3A_434 : vector<256x512xf32>
    %sub3A_438 = vector.broadcast %broadcast_in_dim3A : vector<256x1xf32> to vector<256x512xf32>
    %sub3A_439 = arith.subf %sub3A_438, %mul3A_437 : vector<256x512xf32>
    %broadcast_in_dim3A_440 = vector.shape_cast %reduce_sum3A_432 : vector<512xf32> to vector<1x512xf32>
    %add3A_441 = vector.broadcast %broadcast_in_dim3A_440 : vector<1x512xf32> to vector<256x512xf32>
    %add3A_442 = arith.addf %sub3A_439, %add3A_441 : vector<256x512xf32>
    %reduce_min3A_443 = arith.constant dense<0x7F800000> : vector<256xf32>
    %reduce_min3A_444 = vector.multi_reduction <minimumf>, %add3A_442, %reduce_min3A_443 [1] : vector<256x512xf32> to vector<256xf32>
    %iota3A_445 = tpu.iota {dimensions = array<i32: 1>} : vector<256x512xi32>
    %broadcast_in_dim3A_446 = vector.shape_cast %reduce_min3A_444 : vector<256xf32> to vector<256x1xf32>
    %eq3A_447 = vector.broadcast %broadcast_in_dim3A_446 : vector<256x1xf32> to vector<256x512xf32>
    %eq3A_448 = arith.cmpf oeq, %add3A_442, %eq3A_447 : vector<256x512xf32>
    %jit3A_449 = arith.constant 1073741824 : i32
    %broadcast_in_dim3A_450 = vector.broadcast %jit3A_449 : i32 to vector<256x512xi32>
    %select_n3A_451 = arith.select %eq3A_448, %iota3A_445, %broadcast_in_dim3A_450 : vector<256x512xi1>, vector<256x512xi32>
    %reduce_min3A_452 = arith.constant dense<2147483647> : vector<256xi32>
    %reduce_min3A_453 = vector.multi_reduction <minsi>, %select_n3A_451, %reduce_min3A_452 [1] : vector<256x512xi32> to vector<256xi32>
    %add3A_454 = arith.constant 6656 : i32
    %add3A_455 = vector.broadcast %add3A_454 : i32 to vector<256xi32>
    %add3A_456 = arith.addi %reduce_min3A_453, %add3A_455 : vector<256xi32>
    %lt3A_457 = arith.cmpf olt, %reduce_min3A_444, %select_n3A_425 : vector<256xf32>
    %select_n3A_458 = arith.select %lt3A_457, %reduce_min3A_444, %select_n3A_425 : vector<256xi1>, vector<256xf32>
    %select_n3A_459 = arith.select %lt3A_457, %add3A_456, %select_n3A_426 : vector<256xi1>, vector<256xi32>
    %get3A_460 = arith.constant 7168 : index
    %get3A_461 = arith.constant 0 : index
    %get3A_462 = vector.load %arg2[%get3A_460, %get3A_461] : memref<8192x32xf32, #tpu.memory_space<vmem>>, vector<512x32xf32>
    %mul3A_463 = arith.mulf %get3A_462, %get3A_462 : vector<512x32xf32>
    %reduce_sum3A_464 = arith.constant dense<0.000000e+00> : vector<512xf32>
    %reduce_sum3A_465 = vector.multi_reduction <add>, %mul3A_463, %reduce_sum3A_464 [1] : vector<512x32xf32> to vector<512xf32>
    %dot_general3A_466 = arith.constant dense<0.000000e+00> : vector<256x512xf32>
    %dot_general3A_467 = tpu.matmul %get3A_1, %get3A_462, %dot_general3A_466 {dimension_numbers = #tpu.dot_dimension_numbers<[1], [1], [0], [0], [0, 0, 1, 0], [], []>, transpose_lhs_hint = false} : vector<256x32xf32>, vector<512x32xf32>, vector<256x512xf32> -> vector<256x512xf32>
    %mul3A_468 = arith.constant 2.000000e+00 : f32
    %mul3A_469 = vector.broadcast %mul3A_468 : f32 to vector<256x512xf32>
    %mul3A_470 = arith.mulf %mul3A_469, %dot_general3A_467 : vector<256x512xf32>
    %sub3A_471 = vector.broadcast %broadcast_in_dim3A : vector<256x1xf32> to vector<256x512xf32>
    %sub3A_472 = arith.subf %sub3A_471, %mul3A_470 : vector<256x512xf32>
    %broadcast_in_dim3A_473 = vector.shape_cast %reduce_sum3A_465 : vector<512xf32> to vector<1x512xf32>
    %add3A_474 = vector.broadcast %broadcast_in_dim3A_473 : vector<1x512xf32> to vector<256x512xf32>
    %add3A_475 = arith.addf %sub3A_472, %add3A_474 : vector<256x512xf32>
    %reduce_min3A_476 = arith.constant dense<0x7F800000> : vector<256xf32>
    %reduce_min3A_477 = vector.multi_reduction <minimumf>, %add3A_475, %reduce_min3A_476 [1] : vector<256x512xf32> to vector<256xf32>
    %iota3A_478 = tpu.iota {dimensions = array<i32: 1>} : vector<256x512xi32>
    %broadcast_in_dim3A_479 = vector.shape_cast %reduce_min3A_477 : vector<256xf32> to vector<256x1xf32>
    %eq3A_480 = vector.broadcast %broadcast_in_dim3A_479 : vector<256x1xf32> to vector<256x512xf32>
    %eq3A_481 = arith.cmpf oeq, %add3A_475, %eq3A_480 : vector<256x512xf32>
    %jit3A_482 = arith.constant 1073741824 : i32
    %broadcast_in_dim3A_483 = vector.broadcast %jit3A_482 : i32 to vector<256x512xi32>
    %select_n3A_484 = arith.select %eq3A_481, %iota3A_478, %broadcast_in_dim3A_483 : vector<256x512xi1>, vector<256x512xi32>
    %reduce_min3A_485 = arith.constant dense<2147483647> : vector<256xi32>
    %reduce_min3A_486 = vector.multi_reduction <minsi>, %select_n3A_484, %reduce_min3A_485 [1] : vector<256x512xi32> to vector<256xi32>
    %add3A_487 = arith.constant 7168 : i32
    %add3A_488 = vector.broadcast %add3A_487 : i32 to vector<256xi32>
    %add3A_489 = arith.addi %reduce_min3A_486, %add3A_488 : vector<256xi32>
    %lt3A_490 = arith.cmpf olt, %reduce_min3A_477, %select_n3A_458 : vector<256xf32>
    %select_n3A_491 = arith.select %lt3A_490, %reduce_min3A_477, %select_n3A_458 : vector<256xi1>, vector<256xf32>
    %select_n3A_492 = arith.select %lt3A_490, %add3A_489, %select_n3A_459 : vector<256xi1>, vector<256xi32>
    %get3A_493 = arith.constant 7680 : index
    %get3A_494 = arith.constant 0 : index
    %get3A_495 = vector.load %arg2[%get3A_493, %get3A_494] : memref<8192x32xf32, #tpu.memory_space<vmem>>, vector<512x32xf32>
    %mul3A_496 = arith.mulf %get3A_495, %get3A_495 : vector<512x32xf32>
    %reduce_sum3A_497 = arith.constant dense<0.000000e+00> : vector<512xf32>
    %reduce_sum3A_498 = vector.multi_reduction <add>, %mul3A_496, %reduce_sum3A_497 [1] : vector<512x32xf32> to vector<512xf32>
    %dot_general3A_499 = arith.constant dense<0.000000e+00> : vector<256x512xf32>
    %dot_general3A_500 = tpu.matmul %get3A_1, %get3A_495, %dot_general3A_499 {dimension_numbers = #tpu.dot_dimension_numbers<[1], [1], [0], [0], [0, 0, 1, 0], [], []>, transpose_lhs_hint = false} : vector<256x32xf32>, vector<512x32xf32>, vector<256x512xf32> -> vector<256x512xf32>
    %mul3A_501 = arith.constant 2.000000e+00 : f32
    %mul3A_502 = vector.broadcast %mul3A_501 : f32 to vector<256x512xf32>
    %mul3A_503 = arith.mulf %mul3A_502, %dot_general3A_500 : vector<256x512xf32>
    %sub3A_504 = vector.broadcast %broadcast_in_dim3A : vector<256x1xf32> to vector<256x512xf32>
    %sub3A_505 = arith.subf %sub3A_504, %mul3A_503 : vector<256x512xf32>
    %broadcast_in_dim3A_506 = vector.shape_cast %reduce_sum3A_498 : vector<512xf32> to vector<1x512xf32>
    %add3A_507 = vector.broadcast %broadcast_in_dim3A_506 : vector<1x512xf32> to vector<256x512xf32>
    %add3A_508 = arith.addf %sub3A_505, %add3A_507 : vector<256x512xf32>
    %reduce_min3A_509 = arith.constant dense<0x7F800000> : vector<256xf32>
    %reduce_min3A_510 = vector.multi_reduction <minimumf>, %add3A_508, %reduce_min3A_509 [1] : vector<256x512xf32> to vector<256xf32>
    %iota3A_511 = tpu.iota {dimensions = array<i32: 1>} : vector<256x512xi32>
    %broadcast_in_dim3A_512 = vector.shape_cast %reduce_min3A_510 : vector<256xf32> to vector<256x1xf32>
    %eq3A_513 = vector.broadcast %broadcast_in_dim3A_512 : vector<256x1xf32> to vector<256x512xf32>
    %eq3A_514 = arith.cmpf oeq, %add3A_508, %eq3A_513 : vector<256x512xf32>
    %jit3A_515 = arith.constant 1073741824 : i32
    %broadcast_in_dim3A_516 = vector.broadcast %jit3A_515 : i32 to vector<256x512xi32>
    %select_n3A_517 = arith.select %eq3A_514, %iota3A_511, %broadcast_in_dim3A_516 : vector<256x512xi1>, vector<256x512xi32>
    %reduce_min3A_518 = arith.constant dense<2147483647> : vector<256xi32>
    %reduce_min3A_519 = vector.multi_reduction <minsi>, %select_n3A_517, %reduce_min3A_518 [1] : vector<256x512xi32> to vector<256xi32>
    %add3A_520 = arith.constant 7680 : i32
    %add3A_521 = vector.broadcast %add3A_520 : i32 to vector<256xi32>
    %add3A_522 = arith.addi %reduce_min3A_519, %add3A_521 : vector<256xi32>
    %lt3A_523 = arith.cmpf olt, %reduce_min3A_510, %select_n3A_491 : vector<256xf32>
    %select_n3A_524 = arith.select %lt3A_523, %reduce_min3A_510, %select_n3A_491 : vector<256xi1>, vector<256xf32>
    %select_n3A_525 = arith.select %lt3A_523, %add3A_522, %select_n3A_492 : vector<256xi1>, vector<256xi32>
    %swap3A = arith.constant 0 : index
    %swap3A_526 = arith.constant 0 : index
    %swap3A_527 = arith.constant 0 : index
    %swap3A_528 = vector.load %arg3[%swap3A, %swap3A_526, %swap3A_527] : memref<1x1x256xi32, #tpu.memory_space<vmem>>, vector<1x1x256xi32>
    %swap3A_529 = vector.shape_cast %swap3A_528 : vector<1x1x256xi32> to vector<256xi32>
    %swap3A_530 = vector.shape_cast %select_n3A_525 : vector<256xi32> to vector<1x1x256xi32>
    tpu.vector_store %arg3[%swap3A, %swap3A_526, %swap3A_527], %swap3A_530 {strides = array<i32>} : memref<1x1x256xi32, #tpu.memory_space<vmem>>, vector<1x1x256xi32>,
    %reduce_sum3A_531 = vector.shape_cast %select_n3A_524 : vector<256xf32> to vector<1x256xf32>
    %reduce_sum3A_532 = arith.constant dense<0.000000e+00> : vector<1xf32>
    %reduce_sum3A_533 = vector.multi_reduction <add>, %reduce_sum3A_531, %reduce_sum3A_532 [1] : vector<1x256xf32> to vector<1xf32>
    %reduce_sum3A_534 = vector.shape_cast %reduce_sum3A_533 : vector<1xf32> to vector<1x1xf32>
    %reduce_sum3A_535 = vector.extract %reduce_sum3A_534[0, 0] : f32 from vector<1x1xf32>
    %eq3A_536 = arith.constant 0 : i32
    %eq3A_537 = arith.cmpi eq, %arg0, %eq3A_536 : i32
    %convert_element_type3A = arith.extui %eq3A_537 : i1 to i32
    %cond3A = arith.constant 0 : i32
    %cond3A_538 = arith.cmpi ne, %convert_element_type3A, %cond3A : i32
    scf.if %cond3A_538 {
      %swap3A_546 = arith.constant 0.000000e+00 : f32
      %swap3A_547 = arith.constant 0 : index
      %swap3A_548 = arith.constant 0 : index
      %swap3A_549 = memref.load %arg4[%swap3A_547, %swap3A_548] : memref<1x1xf32, #tpu.memory_space<smem>>
      memref.store %swap3A_546, %arg4[%swap3A_547, %swap3A_548] : memref<1x1xf32, #tpu.memory_space<smem>>
    } else {
    }
    %get3A_539 = arith.constant 0 : index
    %get3A_540 = arith.constant 0 : index
    %get3A_541 = memref.load %arg4[%get3A_539, %get3A_540] : memref<1x1xf32, #tpu.memory_space<smem>>
    %add3A_542 = arith.addf %get3A_541, %reduce_sum3A_535 : f32
    %swap3A_543 = arith.constant 0 : index
    %swap3A_544 = arith.constant 0 : index
    %swap3A_545 = memref.load %arg4[%swap3A_543, %swap3A_544] : memref<1x1xf32, #tpu.memory_space<smem>>
    memref.store %add3A_542, %arg4[%swap3A_543, %swap3A_544] : memref<1x1xf32, #tpu.memory_space<smem>>
    return
  }
  func.func @transform_0(%arg0: i32) -> (i32, i32) {
    %c0_i32 = arith.constant 0 : i32
    %c0_i32_0 = arith.constant 0 : i32
    return %arg0, %c0_i32 : i32, i32
  }
  func.func @transform_1(%arg0: i32) -> (i32, i32) {
    %c0_i32 = arith.constant 0 : i32
    %c0_i32_0 = arith.constant 0 : i32
    %c0_i32_1 = arith.constant 0 : i32
    return %c0_i32, %c0_i32_0 : i32, i32
  }
  func.func @transform_2(%arg0: i32) -> (i32, i32, i32) {
    %c0_i32 = arith.constant 0 : i32
    %c0_i32_0 = arith.constant 0 : i32
    %c0_i32_1 = arith.constant 0 : i32
    return %arg0, %c0_i32, %c0_i32_0 : i32, i32, i32
  }
  func.func @transform_3(%arg0: i32) -> (i32, i32) {
    %c0_i32 = arith.constant 0 : i32
    %c0_i32_0 = arith.constant 0 : i32
    %c0_i32_1 = arith.constant 0 : i32
    return %c0_i32, %c0_i32_0 : i32, i32
  }
}

</mosaic_0001>

<sc_bundles>
// kernel: kernel.4.cloned.1.call-start
scs
__scs_entry_jumppad:
0x0: {  	(pc) =	sbr.rel $0x88, $3  }
0x1: {  	(tag) =	ssettag $0x0;
	lr =	simm.s32 $0x1  }
0x2: {  	[smem:$0x3F9F] =	sst lr;
	_ =	strace $0xD0000000  }
0x3: {  	_ = 	snop  }
0x4: {  	_ = 	snop  }
0x5: {  	_ = 	snop  }
0x6: {  	_ = 	snop  }
0x7: {  	_ = 	snop  }
__scs_overlays_trampoline_lowered:
0x8: {  	[smem:$0x3FAE] =	sst s0  }
0x9: {  	[smem:$0x3FAF] =	sst s1  }
0xa: {  	[smem:$0x3FB0] =	sst s2  }
0xb: {  	[smem:$0x3FB1] =	sst s3  }
0xc: {  	[smem:$0x3FB2] =	sst s4  }
0xd: {  	[smem:$0x3FB3] =	sst s5  }
0xe: {  	[smem:$0x3FB4] =	sst s6  }
0xf: {  	[smem:$0x3FB5] =	sst s7  }
0x10: {  	[smem:$0x3FB6] =	sst s8  }
0x11: {  	[smem:$0x3FB7] =	sst s9;
	s0 =	simm.s32 @!p0 $0x0  }
0x12: {  	s1 =	sld [smem:$0x3F9D];
	s0 =	simm.s32 @p0 $0x1  }
0x13: {  	[smem:$0x3FB8] =	sst s0;
	s0 =	simm.s32 @!p1 $0x0  }
0x14: {  	s2 =	sld [smem:$0x3F9C];
	s0 =	simm.s32 @p1 $0x1  }
0x15: {  	[smem:$0x3FB9] =	sst s0;
	s0 =	simm.s32 @!p2 $0x0  }
0x16: {  	s3 =	sld [smem:$0x3FDB];
	s0 =	simm.s32 @p2 $0x1  }
0x17: {  	s4 =	simm.s32 $0x1BF5;
	[smem:$0x3FBB] =	sst s0  }
0x18: {  	s0 =	sld [smem:$0x3F9E];
	_ =	swait.ge [sflag:s4], $0x0  }
0x19: {  	s7 =	sld [smem:$0x3F9F]  }
0x1a: {  	s8 =	sadd.s32 $0xFFFFE003, lr  }
0x1b: {  	s9 =	sadd.s32 $0xFFFFFEF7, lr;
	s5 =	simm.s32 $0xFFFFFFFF;
	p2 =	slt.u32 s8, $0xFFFFF086  }
0x1c: {  	p1 =	slt.u32 s9, $0xF7A;
	s5 =	simm.s32 @!p2 $0x0  }
0x1d: {  	s5 =	simm.s32 @p1 $0x1;
	p0 =	seq.s32 s7, s2  }
0x1e: {  	s7 =	smul.u32 @!p0 $0xF7A, s2;
	p2 =	seq.s32 @!p0 s5, $0x0  }
0x1f: {  	s9 =	smul.u32 $0xF7A, s1;
	s8 =	simm.s32 @!p0 $0x1BF5;
	p2 =	por !p2, p0  }
0x20: {  	[sflag:s8] =	ssyncset.s32 @!p0 $0xFFFFF086;
	s6 =	sadd.s32 @!p0 s3, s7;
	s7 =	simm.s32 @!p0 $0x108  }
0x21: {  	s3 =	sadd.s32 s3, s9;
	s6 =	sadd.s32 @!p0 $0x88, s6;
	s7 =	simm.s32 @p2 $0x1082  }
0x22: {  	[simem:s7], [sflag:s8] =	dma.local @!p0 [hbm:s6], $0xF7A  }
0x23: {  	s9 =	sor.u32 $0xD0000000, s2;
	s6 =	simm.s32 $0x108;
	_ =	swait.ge @!p0 [sflag:s8], $0x0  }
0x24: {  	s3 =	sadd.s32 $0x88, s3;
	s6 =	simm.s32 @!p1 $0x1082;
	[sflag:s4] =	ssyncset.s32 $0xFFFFF086  }
0x25: {  	[simem:s6], [sflag:s4] =	dma.local [hbm:s3], $0xF7A  }
0x26: {  	[smem:$0x3F9F] =	sst s1;
	(tag) =	ssettag s2;
	_ =	strace s9  }
0x27: {  	s1 =	sld [smem:$0x3FAF]  }
0x28: {  	s2 =	sld [smem:$0x3FB0]  }
0x29: {  	s4 =	sld [smem:$0x3FB2]  }
0x2a: {  	p0 =	seq.s32 s5, $0x0;
	s5 =	sld [smem:$0x3FB3]  }
0x2b: {  	s6 =	sld [smem:$0x3FB4]  }
0x2c: {  	s7 =	sld [smem:$0x3FB5]  }
0x2d: {  	s3 =	simm.s32 $0x108;
	s8 =	sld [smem:$0x3FB6]  }
0x2e: {  	s3 =	simm.s32 @!p0 $0x1082;
	s9 =	sld [smem:$0x3FB7]  }
0x2f: {  	lr =	sadd.s32 s0, s3;
	s0 =	sld [smem:$0x3FAE]  }
0x30: {  	s3 =	sld [smem:$0x3FB1]  }
0x31: {  	[smem:$0x3FBA] =	sst s10  }
0x32: {  	s10 =	sld [smem:$0x3FB8];
	_ =	sdelay $0x3  }
0x33: {  	p0 =	seq.s32 s10, $0x1;
	s10 =	sld [smem:$0x3FBA];
	_ =	sdelay $0x3  }
0x34: {  	[smem:$0x3FBA] =	sst s10  }
0x35: {  	s10 =	sld [smem:$0x3FB9];
	_ =	sdelay $0x3  }
0x36: {  	p1 =	seq.s32 s10, $0x1;
	s10 =	sld [smem:$0x3FBA];
	_ =	sdelay $0x3  }
0x37: {  	[smem:$0x3FBA] =	sst s10  }
0x38: {  	s10 =	sld [smem:$0x3FBB]  }
0x39: {  	_ = 	snop;
	(pc) =	sbr.ind lr, $3  }
0x3a: {  	_ = 	snop  }
0x3b: {  	_ = 	snop  }
0x3c: {  	p2 =	seq.s32 s10, $0x1;
	s10 =	sld [smem:$0x3FBA]  }
0x3d: {  	_ =	shalt  }
0x3e: {  	_ =	shalt  }
0x3f: {  	_ =	shalt  }
0x40: {  	_ =	shalt  }
0x41: {  	_ =	shalt  }
0x42: {  	_ =	shalt  }
0x43: {  	_ =	shalt  }
0x44: {  	_ =	shalt  }
0x45: {  	_ =	shalt  }
0x46: {  	_ =	shalt  }
0x47: {  	_ =	shalt  }
0x48: {  	_ =	shalt  }
0x49: {  	_ =	shalt  }
0x4a: {  	_ =	shalt  }
0x4b: {  	_ =	shalt  }
0x4c: {  	_ =	shalt  }
0x4d: {  	_ =	shalt  }
0x4e: {  	_ =	shalt  }
0x4f: {  	_ =	shalt  }
0x50: {  	_ =	shalt  }
0x51: {  	_ =	shalt  }
0x52: {  	_ =	shalt  }
0x53: {  	_ =	shalt  }
0x54: {  	_ =	shalt  }
0x55: {  	_ =	shalt  }
0x56: {  	_ =	shalt  }
0x57: {  	_ =	shalt  }
0x58: {  	_ =	shalt  }
0x59: {  	_ =	shalt  }
0x5a: {  	_ =	shalt  }
0x5b: {  	_ =	shalt  }
0x5c: {  	_ =	shalt  }
0x5d: {  	_ =	shalt  }
0x5e: {  	_ =	shalt  }
0x5f: {  	_ =	shalt  }
0x60: {  	_ =	shalt  }
0x61: {  	_ =	shalt  }
0x62: {  	_ =	shalt  }
0x63: {  	_ =	shalt  }
0x64: {  	_ =	shalt  }
0x65: {  	_ =	shalt  }
0x66: {  	_ =	shalt  }
0x67: {  	_ =	shalt  }
0x68: {  	_ =	shalt  }
0x69: {  	_ =	shalt  }
0x6a: {  	_ =	shalt  }
0x6b: {  	_ =	shalt  }
0x6c: {  	_ =	shalt  }
0x6d: {  	_ =	shalt  }
0x6e: {  	_ =	shalt  }
0x6f: {  	_ =	shalt  }
0x70: {  	_ =	shalt  }
0x71: {  	_ =	shalt  }
0x72: {  	_ =	shalt  }
0x73: {  	_ =	shalt  }
0x74: {  	_ =	shalt  }
0x75: {  	_ =	shalt  }
0x76: {  	_ =	shalt  }
0x77: {  	_ =	shalt  }
0x78: {  	_ =	shalt  }
0x79: {  	_ =	shalt  }
0x7a: {  	_ =	shalt  }
0x7b: {  	_ =	shalt  }
0x7c: {  	_ =	shalt  }
0x7d: {  	_ =	shalt  }
0x7e: {  	_ =	shalt  }
0x7f: {  	_ =	shalt  }
0x80: {  	_ =	shalt  }
0x81: {  	_ =	shalt  }
0x82: {  	_ =	shalt  }
0x83: {  	_ =	shalt  }
0x84: {  	_ =	shalt  }
0x85: {  	_ =	shalt  }
0x86: {  	_ =	shalt  }
0x87: {  	_ =	shalt  }
.Lfunc_end0:
.L_simem_size_0:
called_computation_lowered:
.L_overlay_start_0:
0x88: {  	s2 =	sld [smem:$0x3FD9]  }
0x89: {  	s3 =	sld [smem:$0x3FFE];
	_ =	sdelay $0x1  }
0x8a: {  	s1 =	srdreg.scid  }
0x8b: {  	s0 =	sand.u32 $0x1, s1  }
0x8c: {  	s14 =	sshll.u32 s0, $0xA;
	s2 =	sadd.s32 s3, s2  }
0x8d: {  	s2 =	sadd.s32 s2, s14  }
0x8e: {  	[smem:$0x3FC6] =	sst s2  }
0x8f: {  	_ = 	snop  }
0x90: {  	s2 =	sld [smem:$0x3FD0];
	_ =	sdelay $0x2  }
0x91: {  	s15 =	simm.s32 $0xA;
	s4 =	simm.s32 $0x10  }
0x92: {  	[smem:s4], [sflag:s15] =	dma.local [hbm:s2], $0x1  }
0x93: {  	_ =	swait.eq [sflag:s15], $0x1  }
0x94: {  	[sflag:s15] =	ssyncset.done $0x0  }
0x95: {  	[sflag:s15] =	ssyncadd.s32 $0xFFFFFFFF  }
0x96: {  	s16 =	sld [smem:$0x10];
	(tm) =	ssettm $0x1  }
0x97: {  	s17 =	sld [smem:$0x3FFB];
	_ =	sdelay $0x3  }
0x98: {  	_ =	strace s17  }
0x99: {  	s3 =	sld [smem:$0x3FFC];
	_ =	sdelay $0x3  }
0x9a: {  	_ =	strace s3  }
0x9b: {  	s3 =	sld [smem:$0x3FFD];
	_ =	sdelay $0x3  }
0x9c: {  	_ =	strace s3  }
0x9d: {  	_ =	strace $0x8FFFFFFF  }
0x9e: {  	s18 =	sld [smem:$0x3FDB];
	_ =	sdelay $0x1  }
0x9f: {  	s19 =	simm.s32 $_scs_section_size  }
0xa0: {  	s5 =	simm.s32 $_size__tile_overlayer_lowered;
	s6 =	simm.s32 $_tile_overlayer_lowered  }
0xa1: {  	s22 =	simm.s32 $0x1BFF;
	s21 =	sshll.u32 s6, $0x1;
	s3 =	sadd.s32 s19, s18  }
0xa2: {  	s7 =	simm.s32 $0x0;
	s20 =	sshll.u32 s5, $0x1;
	s5 =	sadd.s32 s21, s3  }
0xa3: {  	[timem:s7], [sflag:s22] =	dma.local [hbm:s5], s20  }
0xa4: {  	_ =	swait.ge [sflag:s22], s20  }
0xa5: {  	s4 =	ssub.s32 $0x0, s20;
	[sflag:s22] =	ssyncset.done $0x0  }
0xa6: {  	[sflag:s22] =	ssyncadd.s32 s4;
	_ =	sdelay $0x1  }
0xa7: {  	s23 =	simm.s32 $0x1B8B  }
0xa8: {  	_ =	swait.ge [sflag:s23], $0x1  }
0xa9: {  	[sflag:s23] =	ssyncset.done $0x0  }
0xaa: {  	s25 =	simm.s32 $0x1B8E;
	s24 =	sld [smem:$0x3FFE];
	[sflag:s23] =	ssyncadd.s32 $0xFFFFFFFF  }
0xab: {  	s26 =	simm.s32 $execute0_lowered;
	[smem:$0x3FD2] =	sst s25  }
0xac: {  	s5 =	sshll.u32 s26, $0x1;
	_ =	strace $0x80000046;
	[dreg:$0x1] =	wrdreg $0xFFFFFFFF  }
0xad: {  	s28 =	simm.s32 $_size_execute0_lowered;
	s3 =	sadd.s32 s3, s5;
	[dreg:$0x0] =	wrdreg $0x0  }
0xae: {  	s5 =	sshll.u32 s28, $0x1;
	[dreg:$0x2] =	wrdreg s3  }
0xaf: {  	[dreg:$0x3] =	wrdreg s5  }
0xb0: {  	[dreg:$0x4] =	wrdreg $0xC0  }
0xb1: {  	_ =	task [dreg:s7], $0x5FFFF  }
0xb2: {  	[dreg:$0x1] =	wrdreg $0xFFFFFFFF  }
0xb3: {  	[dreg:$0x0] =	wrdreg $0x60  }
0xb4: {  	[dreg:$0x2] =	wrdreg s24  }
0xb5: {  	[dreg:$0x3] =	wrdreg s16  }
0xb6: {  	[dreg:$0x4] =	wrdreg $0x9  }
0xb7: {  	_ =	task.clear_ibuf [dreg:s7], $0x5FFFF;
	_ =	strace $0x90000046  }
0xb8: {  	s29 =	simm.s32 $0x9;
	_ =	strace $0x80000048  }
0xb9: {  	_ =	swait.ge [sflag:s29], $0x1  }
0xba: {  	[sflag:s29] =	ssyncadd.s32 $0xFFFFFFFF  }
0xbb: {  	_ =	strace $0x90000048  }
0xbc: {  	_ =	sfence  }
0xbd: {  	s30 =	sld [smem:$0x0];
	_ =	sdelay $0x2  }
0xbe: {  	s31 =	sshll.u32 s1, $0xD;
	s1 =	sshrl.u32 s1, $0x2  }
0xbf: {  	s3 =	sand.u32 $0x4000, s31;
	s1 =	sadd.s32 s1, s30  }
0xc0: {  	s0 =	sor.u32 s3, s0;
	s1 =	sshll.u32 s1, $0x11  }
0xc1: {  	s0 =	sor.u32 s1, s0  }
0xc2: {  	s0 =	sadd.s32 $0x8F2B, s0  }
0xc3: {  	[sflag:s0] =	ssyncadd.remote.s32 $0x1  }
0xc4: {  	_ =	sfence.sel $0xFFFF  }
0xc5: {  	[dreg:$0x0] =	wrdreg $0xFFFFFFFF;
	(pc) =	sbr.abs _section_cstart, $3  }
0xc6: {  	[dreg:$0x1] =	wrdreg $0xFFFFFFFF  }
0xc7: {  	_ =	task.clear_ibuf [dreg:s7], $0x2FFFF;
	_ =	strace $0x9FFFFFFF  }
0xc8: {  	(tm) =	ssettm $0x7FFFFFFF  }
0xc9: {  	_ =	shalt  }
tec
execute0_lowered:
.L_overlay_start_1:
0x0: {  	(tag) =	ssettag $0x1  }
0x1: {  	s5 =	rddreg [dreg:$0x0]  }
0x2: {  	s2 =	srdreg.scid;
	s3 =	stileid.u32  }
0x3: {  	s0 =	rddreg [dreg:$0x1];
	s2 =	sand.u32 $0x1, s2;
	s3 =	sshll.u32 s3, $0x1  }
0x4: {  	s1 =	simm.s32 $0x0;
	s3 =	sor.u32 s2, s3;
	s2 =	ssub.s32 $0x2, s2  }
0x5: {  	[smem:$0x7FF] =	sst s1;
	s4 =	sshll.u32 s3, $0xA;
	s6 =	sshrl.u32 s2, $0x1  }
0x6: {  	s3 =	sshll.u32 s3, $0x7;
	[dreg:$0xe] =	wrdreg s4;
	s6 =	ssub.s32 s2, s6  }
0x7: {  	s20 =	sadd.s32 s0, s3;
	s19 =	sor.u32 $0x1000, s3;
	s10 =	sor.u32 $0x5000, s3  }
0x8: {  	s11 =	sor.u32 $0x6000, s3;
	s12 =	sor.u32 $0x7000, s3;
	s28 =	sor.u32 $0x9000, s3  }
0x9: {  	s29 =	sor.u32 $0xA000, s3;
	s30 =	sor.u32 $0xB000, s3;
	s2 =	sor.u32 $0xC000, s3  }
0xa: {  	[dreg:$0x3] =	wrdreg s20;
	s21 =	sadd.s32 s0, s19;
	s20 =	sor.u32 $0x2000, s3  }
0xb: {  	s25 =	sadd.s32 s0, s10;
	s26 =	sadd.s32 s0, s11;
	[dreg:$0x4] =	wrdreg s21  }
0xc: {  	s4 =	sadd.s32 s0, s12;
	s8 =	sadd.s32 s0, s28;
	[dreg:$0x8] =	wrdreg s25  }
0xd: {  	s9 =	sadd.s32 s0, s29;
	s13 =	sadd.s32 s0, s30;
	[dreg:$0x9] =	wrdreg s26  }
0xe: {  	s14 =	sadd.s32 s0, s2;
	s6 =	smax.u32 s6, $0x1;
	[dreg:$0xa] =	wrdreg s4  }
0xf: {  	s21 =	sor.u32 $0x3000, s3;
	s22 =	sadd.s32 s0, s20;
	[dreg:$0xc] =	wrdreg s8  }
0x10: {  	s26 =	sor.u32 $0x8000, s3;
	[dreg:$0xd] =	wrdreg s9;
	s8 =	sor.u32 $0xE000, s3  }
0x11: {  	s4 =	sor.u32 $0xF000, s3;
	s9 =	sadd.s32 $0x9400, s5;
	[dreg:$0x5] =	wrdreg s22  }
0x12: {  	s23 =	sadd.s32 s0, s21;
	s22 =	sor.u32 $0x4000, s3;
	s7 =	sadd.s32 s0, s26  }
0x13: {  	s16 =	sadd.s32 s0, s8;
	s17 =	sadd.s32 s0, s4;
	s18 =	sadd.s32 s9, s3  }
0x14: {  	s19 =	sadd.s32 s9, s19;
	s20 =	sadd.s32 s9, s20;
	s21 =	sadd.s32 s9, s21  }
0x15: {  	s25 =	sadd.s32 s9, s12;
	s26 =	sadd.s32 s9, s26;
	s28 =	sadd.s32 s9, s28  }
0x16: {  	s29 =	sadd.s32 s9, s29;
	s31 =	sadd.s32 s9, s30;
	s12 =	rddreg [dreg:$0xe]  }
0x17: {  	s30 =	sadd.s32 s9, s2;
	s2 =	sadd.s32 s9, s8;
	[dreg:$0x6] =	wrdreg s23  }
0x18: {  	s8 =	simm.s32 $0x1;
	s24 =	sadd.s32 s0, s22;
	[dreg:$0xb] =	wrdreg s7  }
0x19: {  	s7 =	sor.u32 $0xD000, s3;
	s22 =	sadd.s32 s9, s22;
	s23 =	sadd.s32 s9, s10  }
0x1a: {  	s3 =	sadd.s32 s9, s4;
	[dreg:$0x7] =	wrdreg s24;
	s15 =	sadd.s32 s0, s7  }
0x1b: {  	s24 =	sadd.s32 s9, s11;
	s0 =	sadd.s32 s9, s7;
	s11 =	smov.u32 s5  }
0x1c: {  	s7 =	simm.s32 $0xC000;
	s9 =	simm.s32 $0x0;
	s5 =	sadd.s32 s12, s11  }
0x1d: {  	_ =	strace $0x80000047;
	s4 =	sadd.s32 $0x8C00, s11;
	s5 =	sadd.s32 $0xC00, s5  }
.LBB2_1:
0x1e: {  	[tilespmem:s7], [sflag:$0x1] =	stream.linear.gather [hbm4b:s5+s1], $0x2000, $0x38;
	[tilespmem:$0xE000] =	vst v63  }
0x1f: {  	_ = 	snop  }
0x20: {  	[tilespmem:s1], [sflag:$0x1] =	stream.linear.gather [hbm4b:s4+s1], $0x4000, $0x38;
	[tilespmem:$0xE000] =	vst v63  }
0x21: {  	s10 =	rddreg [dreg:$0x3];
	s11 =	simm.s32 $0x4000  }
0x22: {  	[tilespmem:s11], [sflag:$0x1] =	stream.linear.gather [hbm4b:s10+s1], $0x400, $0x38;
	[tilespmem:$0xE000] =	vst v63  }
0x23: {  	s12 =	simm.s32 $0x4400;
	s11 =	rddreg [dreg:$0x4]  }
0x24: {  	[tilespmem:s12], [sflag:$0x1] =	stream.linear.gather [hbm4b:s11+s1], $0x400, $0x38;
	[tilespmem:$0xE000] =	vst v63  }
0x25: {  	s11 =	rddreg [dreg:$0x5];
	s12 =	simm.s32 $0x4800  }
0x26: {  	[tilespmem:s12], [sflag:$0x1] =	stream.linear.gather [hbm4b:s11+s1], $0x400, $0x38;
	[tilespmem:$0xE000] =	vst v63  }
0x27: {  	s11 =	rddreg [dreg:$0x6];
	s12 =	simm.s32 $0x4C00  }
0x28: {  	[tilespmem:s12], [sflag:$0x1] =	stream.linear.gather [hbm4b:s11+s1], $0x400, $0x38;
	[tilespmem:$0xE000] =	vst v63  }
0x29: {  	s11 =	rddreg [dreg:$0x7];
	s12 =	simm.s32 $0x5000  }
0x2a: {  	[tilespmem:s12], [sflag:$0x1] =	stream.linear.gather [hbm4b:s11+s1], $0x400, $0x38;
	[tilespmem:$0xE000] =	vst v63  }
0x2b: {  	s11 =	rddreg [dreg:$0x8];
	s12 =	simm.s32 $0x5400  }
0x2c: {  	[tilespmem:s12], [sflag:$0x1] =	stream.linear.gather [hbm4b:s11+s1], $0x400, $0x38;
	[tilespmem:$0xE000] =	vst v63  }
0x2d: {  	s11 =	rddreg [dreg:$0x9];
	s12 =	simm.s32 $0x5800  }
0x2e: {  	[tilespmem:s12], [sflag:$0x1] =	stream.linear.gather [hbm4b:s11+s1], $0x400, $0x38;
	[tilespmem:$0xE000] =	vst v63  }
0x2f: {  	s11 =	rddreg [dreg:$0xa];
	s12 =	simm.s32 $0x5C00  }
0x30: {  	[tilespmem:s12], [sflag:$0x1] =	stream.linear.gather [hbm4b:s11+s1], $0x400, $0x38;
	[tilespmem:$0xE000] =	vst v63  }
0x31: {  	s11 =	rddreg [dreg:$0xb];
	s12 =	simm.s32 $0x6000  }
0x32: {  	[tilespmem:s12], [sflag:$0x1] =	stream.linear.gather [hbm4b:s11+s1], $0x400, $0x38;
	[tilespmem:$0xE000] =	vst v63  }
0x33: {  	s11 =	rddreg [dreg:$0xc];
	s12 =	simm.s32 $0x6400  }
0x34: {  	[tilespmem:s12], [sflag:$0x1] =	stream.linear.gather [hbm4b:s11+s1], $0x400, $0x38;
	[tilespmem:$0xE000] =	vst v63  }
0x35: {  	s11 =	rddreg [dreg:$0xd];
	s12 =	simm.s32 $0x6800  }
0x36: {  	[tilespmem:s12], [sflag:$0x1] =	stream.linear.gather [hbm4b:s11+s1], $0x400, $0x38;
	[tilespmem:$0xE000] =	vst v63  }
0x37: {  	s12 =	simm.s32 $0x6C00  }
0x38: {  	[tilespmem:s12], [sflag:$0x1] =	stream.linear.gather [hbm4b:s13+s1], $0x400, $0x38;
	[tilespmem:$0xE000] =	vst v63  }
0x39: {  	s11 =	simm.s32 $0x7000  }
0x3a: {  	[tilespmem:s11], [sflag:$0x1] =	stream.linear.gather [hbm4b:s14+s1], $0x400, $0x38;
	[tilespmem:$0xE000] =	vst v63  }
0x3b: {  	s12 =	simm.s32 $0x7400  }
0x3c: {  	[tilespmem:s12], [sflag:$0x1] =	stream.linear.gather [hbm4b:s15+s1], $0x400, $0x38;
	[tilespmem:$0xE000] =	vst v63  }
0x3d: {  	s11 =	simm.s32 $0x7800  }
0x3e: {  	[tilespmem:s11], [sflag:$0x1] =	stream.linear.gather [hbm4b:s16+s1], $0x400, $0x38;
	[tilespmem:$0xE000] =	vst v63  }
0x3f: {  	s12 =	simm.s32 $0x7C00  }
0x40: {  	[tilespmem:s12], [sflag:$0x1] =	stream.linear.gather [hbm4b:s17+s1], $0x400, $0x38;
	[tilespmem:$0xE000] =	vst v63  }
0x41: {  	_ =	swait.ge [sflag:s8], $0x2000  }
0x42: {  	[sflag:s8] =	ssyncset.done $0x0  }
0x43: {  	[sflag:s8] =	ssyncadd.s32 $0xFFFFE000  }
0x44: {  	_ =	swait.ge [sflag:s8], $0x4000  }
0x45: {  	[sflag:s8] =	ssyncset.done $0x0  }
0x46: {  	[sflag:s8] =	ssyncadd.s32 $0xFFFFC000  }
0x47: {  	_ =	swait.ge [sflag:s8], $0x400  }
0x48: {  	[sflag:s8] =	ssyncset.done $0x0  }
0x49: {  	[sflag:s8] =	ssyncadd.s32 $0xFFFFFC00  }
0x4a: {  	_ =	swait.ge [sflag:s8], $0x400  }
0x4b: {  	[sflag:s8] =	ssyncset.done $0x0  }
0x4c: {  	[sflag:s8] =	ssyncadd.s32 $0xFFFFFC00  }
0x4d: {  	_ =	swait.ge [sflag:s8], $0x400  }
0x4e: {  	[sflag:s8] =	ssyncset.done $0x0  }
0x4f: {  	[sflag:s8] =	ssyncadd.s32 $0xFFFFFC00  }
0x50: {  	_ =	swait.ge [sflag:s8], $0x400  }
0x51: {  	[sflag:s8] =	ssyncset.done $0x0  }
0x52: {  	[sflag:s8] =	ssyncadd.s32 $0xFFFFFC00  }
0x53: {  	_ =	swait.ge [sflag:s8], $0x400  }
0x54: {  	[sflag:s8] =	ssyncset.done $0x0  }
0x55: {  	[sflag:s8] =	ssyncadd.s32 $0xFFFFFC00  }
0x56: {  	_ =	swait.ge [sflag:s8], $0x400  }
0x57: {  	[sflag:s8] =	ssyncset.done $0x0  }
0x58: {  	[sflag:s8] =	ssyncadd.s32 $0xFFFFFC00  }
0x59: {  	_ =	swait.ge [sflag:s8], $0x400  }
0x5a: {  	[sflag:s8] =	ssyncset.done $0x0  }
0x5b: {  	[sflag:s8] =	ssyncadd.s32 $0xFFFFFC00  }
0x5c: {  	_ =	swait.ge [sflag:s8], $0x400  }
0x5d: {  	[sflag:s8] =	ssyncset.done $0x0  }
0x5e: {  	[sflag:s8] =	ssyncadd.s32 $0xFFFFFC00  }
0x5f: {  	_ =	swait.ge [sflag:s8], $0x400  }
0x60: {  	[sflag:s8] =	ssyncset.done $0x0  }
0x61: {  	[sflag:s8] =	ssyncadd.s32 $0xFFFFFC00  }
0x62: {  	_ =	swait.ge [sflag:s8], $0x400  }
0x63: {  	[sflag:s8] =	ssyncset.done $0x0  }
0x64: {  	[sflag:s8] =	ssyncadd.s32 $0xFFFFFC00  }
0x65: {  	_ =	swait.ge [sflag:s8], $0x400  }
0x66: {  	[sflag:s8] =	ssyncset.done $0x0  }
0x67: {  	[sflag:s8] =	ssyncadd.s32 $0xFFFFFC00  }
0x68: {  	_ =	swait.ge [sflag:s8], $0x400  }
0x69: {  	[sflag:s8] =	ssyncset.done $0x0  }
0x6a: {  	[sflag:s8] =	ssyncadd.s32 $0xFFFFFC00  }
0x6b: {  	_ =	swait.ge [sflag:s8], $0x400  }
0x6c: {  	[sflag:s8] =	ssyncset.done $0x0  }
0x6d: {  	[sflag:s8] =	ssyncadd.s32 $0xFFFFFC00  }
0x6e: {  	_ =	swait.ge [sflag:s8], $0x400  }
0x6f: {  	[sflag:s8] =	ssyncset.done $0x0  }
0x70: {  	[sflag:s8] =	ssyncadd.s32 $0xFFFFFC00  }
0x71: {  	_ =	swait.ge [sflag:s8], $0x400  }
0x72: {  	[sflag:s8] =	ssyncset.done $0x0  }
0x73: {  	[sflag:s8] =	ssyncadd.s32 $0xFFFFFC00  }
0x74: {  	_ =	swait.ge [sflag:s8], $0x400  }
0x75: {  	[sflag:s8] =	ssyncset.done $0x0  }
0x76: {  	s10 =	simm.s32 $0x0;
	[sflag:s8] =	ssyncadd.s32 $0xFFFFFC00  }
0x77: {  	v0 =	vld [tilespmem:s10+$0x0];
	_ =	sdelay $0x7  }
0x78: {  	v1 =	vld.idx.msk [tilespmem:v0+s7+$0x0], $0xffff  }
0x79: {  	v0 =	vld [tilespmem:s10+$0x4000]  }
0x7a: {  	s11 =	simm.s32 $0x10;
	s12 =	simm.s32 $0x80  }
.LBB2_2:
0x7b: {  	p0 =	sne.s32 s12, $0xFFC0;
	v2 =	vld [tilespmem:s11+$0x0];
	_ =	sdelay $0x2  }
0x7c: {  	v1 =	vsub.f32 v1, v0;
	_ =	sdelay $0x1  }
0x7d: {  	v0 =	vadd.f32 v1, v0  }
.Ltmp0:
0x7e: {  	(pc) =	sbr.rel @p0 .LBB2_2-.Ltmp0, $4  }
0x7f: {  	[tilespmem:s10+$0x8000] =	vst v0;
	s10 =	smov.u32 s11  }
0x80: {  	v1 =	vld.idx.msk [tilespmem:v2+s7+$0x0], $0xffff  }
0x81: {  	v0 =	vld [tilespmem:s10+$0x4000]  }
0x82: {  	s11 =	sshra.s32 s12, $0x2;
	s12 =	sadd.s32 $0x40, s12  }
0x83: {  	v2 =	vld [tilespmem:s11+$0x0];
	_ =	sdelay $0x2  }
0x84: {  	v1 =	vsub.f32 v1, v0;
	_ =	sdelay $0x1  }
0x85: {  	v0 =	vadd.f32 v1, v0;
	_ =	sdelay $0x1  }
0x86: {  	[tilespmem:s10+$0x8000] =	vst v0  }
0x87: {  	v0 =	vld.idx.msk [tilespmem:v2+s7+$0x0], $0xffff  }
0x88: {  	v63 =	vld [tilespmem:s11+$0x4000];
	_ =	sdelay $0x4  }
0x89: {  	v0 =	vsub.f32 v0, v63;
	_ =	sdelay $0x1  }
0x8a: {  	v0 =	vadd.f32 v0, v63;
	_ =	sdelay $0x1  }
0x8b: {  	[tilespmem:s11+$0x8000] =	vst v0;
	s11 =	simm.s32 $0x8000  }
0x8c: {  	[hbm4b:s18+s1] =	stream.linear.scatter [tilespmem:s11], [sflag:$0x1], $0x400, $0x38;
	[tilespmem:$0xE000] =	vst v63  }
0x8d: {  	s12 =	simm.s32 $0x8400  }
0x8e: {  	[hbm4b:s19+s1] =	stream.linear.scatter [tilespmem:s12], [sflag:$0x1], $0x400, $0x38;
	[tilespmem:$0xE000] =	vst v63  }
0x8f: {  	s11 =	simm.s32 $0x8800  }
0x90: {  	[hbm4b:s20+s1] =	stream.linear.scatter [tilespmem:s11], [sflag:$0x1], $0x400, $0x38;
	[tilespmem:$0xE000] =	vst v63  }
0x91: {  	s12 =	simm.s32 $0x8C00  }
0x92: {  	[hbm4b:s21+s1] =	stream.linear.scatter [tilespmem:s12], [sflag:$0x1], $0x400, $0x38;
	[tilespmem:$0xE000] =	vst v63  }
0x93: {  	s11 =	simm.s32 $0x9000  }
0x94: {  	[hbm4b:s22+s1] =	stream.linear.scatter [tilespmem:s11], [sflag:$0x1], $0x400, $0x38;
	[tilespmem:$0xE000] =	vst v63  }
0x95: {  	s12 =	simm.s32 $0x9400  }
0x96: {  	[hbm4b:s23+s1] =	stream.linear.scatter [tilespmem:s12], [sflag:$0x1], $0x400, $0x38;
	[tilespmem:$0xE000] =	vst v63  }
0x97: {  	s11 =	simm.s32 $0x9800  }
0x98: {  	[hbm4b:s24+s1] =	stream.linear.scatter [tilespmem:s11], [sflag:$0x1], $0x400, $0x38;
	[tilespmem:$0xE000] =	vst v63  }
0x99: {  	s12 =	simm.s32 $0x9C00  }
0x9a: {  	[hbm4b:s25+s1] =	stream.linear.scatter [tilespmem:s12], [sflag:$0x1], $0x400, $0x38;
	[tilespmem:$0xE000] =	vst v63  }
0x9b: {  	s11 =	simm.s32 $0xA000  }
0x9c: {  	[hbm4b:s26+s1] =	stream.linear.scatter [tilespmem:s11], [sflag:$0x1], $0x400, $0x38;
	[tilespmem:$0xE000] =	vst v63  }
0x9d: {  	s12 =	simm.s32 $0xA400  }
0x9e: {  	[hbm4b:s28+s1] =	stream.linear.scatter [tilespmem:s12], [sflag:$0x1], $0x400, $0x38;
	[tilespmem:$0xE000] =	vst v63  }
0x9f: {  	s11 =	simm.s32 $0xA800  }
0xa0: {  	[hbm4b:s29+s1] =	stream.linear.scatter [tilespmem:s11], [sflag:$0x1], $0x400, $0x38;
	[tilespmem:$0xE000] =	vst v63  }
0xa1: {  	s12 =	simm.s32 $0xAC00  }
0xa2: {  	[hbm4b:s31+s1] =	stream.linear.scatter [tilespmem:s12], [sflag:$0x1], $0x400, $0x38;
	[tilespmem:$0xE000] =	vst v63  }
0xa3: {  	s11 =	simm.s32 $0xB000  }
0xa4: {  	[hbm4b:s30+s1] =	stream.linear.scatter [tilespmem:s11], [sflag:$0x1], $0x400, $0x38;
	[tilespmem:$0xE000] =	vst v63  }
0xa5: {  	s12 =	simm.s32 $0xB400  }
0xa6: {  	[hbm4b:s0+s1] =	stream.linear.scatter [tilespmem:s12], [sflag:$0x1], $0x400, $0x38;
	[tilespmem:$0xE000] =	vst v63  }
0xa7: {  	s11 =	simm.s32 $0xB800  }
0xa8: {  	[hbm4b:s2+s1] =	stream.linear.scatter [tilespmem:s11], [sflag:$0x1], $0x400, $0x38;
	[tilespmem:$0xE000] =	vst v63  }
0xa9: {  	s12 =	simm.s32 $0xBC00  }
0xaa: {  	[hbm4b:s3+s1] =	stream.linear.scatter [tilespmem:s12], [sflag:$0x1], $0x400, $0x38;
	[tilespmem:$0xE000] =	vst v63  }
0xab: {  	_ =	swait.ge [sflag:s8], $0x400  }
0xac: {  	[sflag:s8] =	ssyncset.done $0x0  }
0xad: {  	[sflag:s8] =	ssyncadd.s32 $0xFFFFFC00  }
0xae: {  	_ =	swait.ge [sflag:s8], $0x400  }
0xaf: {  	[sflag:s8] =	ssyncset.done $0x0  }
0xb0: {  	[sflag:s8] =	ssyncadd.s32 $0xFFFFFC00  }
0xb1: {  	_ =	swait.ge [sflag:s8], $0x400  }
0xb2: {  	[sflag:s8] =	ssyncset.done $0x0  }
0xb3: {  	[sflag:s8] =	ssyncadd.s32 $0xFFFFFC00  }
0xb4: {  	_ =	swait.ge [sflag:s8], $0x400  }
0xb5: {  	[sflag:s8] =	ssyncset.done $0x0  }
0xb6: {  	[sflag:s8] =	ssyncadd.s32 $0xFFFFFC00  }
0xb7: {  	_ =	swait.ge [sflag:s8], $0x400  }
0xb8: {  	[sflag:s8] =	ssyncset.done $0x0  }
0xb9: {  	[sflag:s8] =	ssyncadd.s32 $0xFFFFFC00  }
0xba: {  	_ =	swait.ge [sflag:s8], $0x400  }
0xbb: {  	[sflag:s8] =	ssyncset.done $0x0  }
0xbc: {  	[sflag:s8] =	ssyncadd.s32 $0xFFFFFC00  }
0xbd: {  	_ =	swait.ge [sflag:s8], $0x400  }
0xbe: {  	[sflag:s8] =	ssyncset.done $0x0  }
0xbf: {  	[sflag:s8] =	ssyncadd.s32 $0xFFFFFC00  }
0xc0: {  	_ =	swait.ge [sflag:s8], $0x400  }
0xc1: {  	[sflag:s8] =	ssyncset.done $0x0  }
0xc2: {  	[sflag:s8] =	ssyncadd.s32 $0xFFFFFC00  }
0xc3: {  	_ =	swait.ge [sflag:s8], $0x400  }
0xc4: {  	[sflag:s8] =	ssyncset.done $0x0  }
0xc5: {  	[sflag:s8] =	ssyncadd.s32 $0xFFFFFC00  }
0xc6: {  	_ =	swait.ge [sflag:s8], $0x400  }
0xc7: {  	[sflag:s8] =	ssyncset.done $0x0  }
0xc8: {  	[sflag:s8] =	ssyncadd.s32 $0xFFFFFC00  }
0xc9: {  	_ =	swait.ge [sflag:s8], $0x400  }
0xca: {  	[sflag:s8] =	ssyncset.done $0x0  }
0xcb: {  	[sflag:s8] =	ssyncadd.s32 $0xFFFFFC00  }
0xcc: {  	_ =	swait.ge [sflag:s8], $0x400  }
0xcd: {  	[sflag:s8] =	ssyncset.done $0x0  }
0xce: {  	[sflag:s8] =	ssyncadd.s32 $0xFFFFFC00  }
0xcf: {  	_ =	swait.ge [sflag:s8], $0x400  }
0xd0: {  	[sflag:s8] =	ssyncset.done $0x0  }
0xd1: {  	[sflag:s8] =	ssyncadd.s32 $0xFFFFFC00  }
0xd2: {  	_ =	swait.ge [sflag:s8], $0x400  }
0xd3: {  	[sflag:s8] =	ssyncset.done $0x0  }
0xd4: {  	s9 =	sadd.s32 $0x1, s9;
	[sflag:s8] =	ssyncadd.s32 $0xFFFFFC00  }
0xd5: {  	p0 =	sne.s32 s9, s6;
	_ =	swait.ge [sflag:s8], $0x400  }
.Ltmp1:
0xd6: {  	[sflag:s8] =	ssyncset.done $0x0;
	(pc) =	sbr.rel @p0 .LBB2_1-.Ltmp1, $4  }
0xd7: {  	[sflag:s8] =	ssyncadd.s32 $0xFFFFFC00  }
0xd8: {  	_ =	swait.ge [sflag:s8], $0x400  }
0xd9: {  	[sflag:s8] =	ssyncset.done $0x0  }
0xda: {  	[sflag:s8] =	ssyncadd.s32 $0xFFFFFC00  }
0xdb: {  	_ =	sfence.sel $0x180000  }
0xdc: {  	[bflag:$0x0] =	sbarrier.arrive $0xFFFF  }
0xdd: {  	_ =	strace $0x90000047  }
0xde: {  	s0 =	stileid.u32;
	[bflag:$0x2] =	sbarrier.arrive $0xFFFF  }
0xdf: {  	p0 =	sne.s32 s0, $0x0;
	s0 =	rddreg [dreg:$0x2]  }
0xe0: {  	s0 =	sadd.s32 @!p0 $0x100000, s0  }
0xe1: {  	[sflag:s0] =	ssyncadd.tile.s32 @!p0 $0x1;
	_ =	shalt  }
.Lfunc_end2:
_tile_overlayer_lowered:
.L_overlay_start_2:
0xe2: {  	(tag) =	ssettag $0x2  }
0xe3: {  	s0 =	rddreg [dreg:$0x0];
	s2 =	stileid.u32  }
0xe4: {  	s1 =	rddreg [dreg:$0x1];
	p0 =	sne.s32 s2, $0x0  }
0xe5: {  	s3 =	rddreg [dreg:$0x2];
	[bflag:$0x3] =	sbarrier.arrive $0xFFFF;
	s2 =	simm.s32 @!p0 $0x1C02  }
0xe6: {  	[timem:s3], [sflag:s2] =	dma.local @!p0 [hbm:s0], s1  }
0xe7: {  	s0 =	simm.s32 @!p0 $0x2  }
0xe8: {  	_ =	swait.ge @!p0 [sflag:s0], s1  }
0xe9: {  	s1 =	ssub.s32 @!p0 $0x0, s1;
	[sflag:s0] =	ssyncset.done @!p0 $0x0  }
0xea: {  	[sflag:s0] =	ssyncadd.s32 @!p0 s1  }
0xeb: {  	[bflag:$0x3] =	sbarrier.arrive $0xFFFF  }
0xec: {  	_ =	shalt  }

</sc_bundles>
